<compile_context>
chip_gen: v7x
topology: tpu7x:2x2x1
jax: 0.10.2.dev20260603
libtpu: 0.0.44.dev20260713+nightly
codegen_flags: <defaults>
</compile_context>

<pallas_src>
import functools

import jax
import jax.numpy as jnp
from jax import lax
from jax.experimental import pallas as pl
from jax.experimental.pallas import tpu as pltpu
from jax.experimental.pallas import tpu_sc as plsc

_N = 10000
_E = 320000
_D = 128
_R = 200
_RH = _R // 2

_NC = 2
_NS = 16
_DH = _D // _NC
_CHUNK = 128
_NCHUNK = _E // _CHUNK
_NPAD = 10240
_RPT = _NPAD // _NS
_HW = _NPAD * _RH
_HTRASH = (_NPAD - 1) * _RH
_HB = 8000


def _tables_body(x_ref, w_ref, o_ref):
    o_ref[...] = jnp.dot(x_ref[...], w_ref[0], preferred_element_type=jnp.float32)


def _build_T(n_feats, w_stack):
    return pl.pallas_call(
        _tables_body,
        grid=(2, 10),
        in_specs=[
            pl.BlockSpec((_N // 10, _D), lambda i, j: (j, 0)),
            pl.BlockSpec((1, _D, _D), lambda i, j: (i, 0, 0)),
        ],
        out_specs=pl.BlockSpec((_N // 10, _D), lambda i, j: (i * 10 + j, 0)),
        out_shape=jax.ShapeDtypeStruct((2 * _N, _D), jnp.float32),
    )(n_feats, w_stack)


def _rel_body(r_ref, wI_ref, wO_ref, wR_ref, bI_ref, bO_ref, bR_ref,
              qneg_ref, rout_ref):
    r = r_ref[...]
    rI = jnp.dot(r, wI_ref[...], preferred_element_type=jnp.float32)
    rO = jnp.dot(r, wO_ref[...], preferred_element_type=jnp.float32)
    rR = jnp.dot(r, wR_ref[...], preferred_element_type=jnp.float32)
    rowid = lax.broadcasted_iota(jnp.int32, (_R, _D), 0)
    qneg_ref[...] = jnp.where(rowid < _RH, bI_ref[...] - rI, bO_ref[...] - rO)
    rout_ref[...] = rR + bR_ref[...]


def _build_rel(r_feats, wI, wO, wR, bI, bO, bR):
    return pl.pallas_call(
        _rel_body,
        out_shape=(
            jax.ShapeDtypeStruct((_R, _D), jnp.float32),
            jax.ShapeDtypeStruct((_R, _D), jnp.float32),
        ),
    )(r_feats, wI, wO, wR, bI.reshape(1, _D), bO.reshape(1, _D),
      bR.reshape(1, _D))


def _gidx_body(src_ref, et_ref, dst_ref, g_ref, h0_ref, h1_ref):
    et = et_ref[...]
    dst = dst_ref[...]
    g_ref[...] = src_ref[...] + jnp.where(et >= _RH, _N, 0)
    base = dst * _RH
    h0_ref[...] = jnp.where(et < _RH, base + et, _HTRASH)
    h1_ref[...] = jnp.where(et >= _RH, base + (et - _RH), _HTRASH)


def _build_idx(src2, et2, dst2):
    return pl.pallas_call(
        _gidx_body,
        out_shape=(
            jax.ShapeDtypeStruct(src2.shape, jnp.int32),
            jax.ShapeDtypeStruct(src2.shape, jnp.int32),
            jax.ShapeDtypeStruct(src2.shape, jnp.int32),
        ),
    )(src2, et2, dst2)


def _make_sc_kernel():
    mesh = plsc.VectorSubcoreMesh(core_axis_name="c", subcore_axis_name="s")

    @functools.partial(
        pl.kernel,
        out_type=(
            jax.ShapeDtypeStruct((_NC, _NPAD, _DH), jnp.float32),
            jax.ShapeDtypeStruct((_NC, _HW), jnp.float32),
        ),
        mesh=mesh,
        compiler_params=pltpu.CompilerParams(use_tc_tiling_on_sc=False),
        scratch_types=[
            pltpu.VMEM((_CHUNK,), jnp.int32),
            pltpu.VMEM((_CHUNK,), jnp.int32),
            pltpu.VMEM((_CHUNK,), jnp.int32),
            pltpu.VMEM((_CHUNK, _DH), jnp.float32),
            pltpu.VMEM((_HB,), jnp.float32),
            pltpu.VMEM((_CHUNK,), jnp.float32),
            pltpu.VMEM_SHARED((_NPAD, _DH), jnp.float32),
            pltpu.VMEM_SHARED((_HW,), jnp.float32),
            pltpu.SemaphoreType.DMA,
            pltpu.SemaphoreType.DMA,
        ],
    )
    def sc_kernel(T_hbm, gidx_hbm, dst_hbm, hidx_hbm,
                  acc_hbm, hist_hbm,
                  gidx_v, dst_v, hidx_v, rows_v, zb_v, ones_v,
                  acc_s, hist_s, semi, semg):
        cid = lax.axis_index("c")
        sid = lax.axis_index("s")
        r0 = sid * _RPT
        h0 = sid * (_HW // _NS)

        zero16 = jnp.zeros((16,), jnp.float32)
        one16 = jnp.ones((16,), jnp.float32)

        def _fillz(i, carry):
            zb_v[pl.ds(i * 16, 16)] = zero16
            return carry

        lax.fori_loop(0, _HB // 16, _fillz, 0)

        def _fillr(i, carry):
            for c8 in range(_DH // 16):
                rows_v[i, pl.ds(c8 * 16, 16)] = zero16
            return carry

        lax.fori_loop(0, _CHUNK, _fillr, 0)
        for c8 in range(_CHUNK // 16):
            ones_v[pl.ds(c8 * 16, 16)] = one16

        for b in range(_RPT // _CHUNK):
            off = r0 + b * _CHUNK
            pltpu.sync_copy(rows_v, acc_s.at[pl.ds(off, _CHUNK)])
        for b in range(_HW // _NS // _HB):
            pltpu.sync_copy(zb_v, hist_s.at[pl.ds(h0 + b * _HB, _HB)])
        plsc.subcore_barrier()

        lo = sid * _NCHUNK // _NS
        hi = (sid + 1) * _NCHUNK // _NS

        def _chunk(c, carry):
            base = pl.multiple_of(c * _CHUNK, _CHUNK)
            ci = pltpu.async_copy(gidx_hbm.at[pl.ds(base, _CHUNK)], gidx_v,
                                  semi)
            cd = pltpu.async_copy(dst_hbm.at[pl.ds(base, _CHUNK)], dst_v, semi)
            ch = pltpu.async_copy(hidx_hbm.at[cid, pl.ds(base, _CHUNK)],
                                  hidx_v, semi)
            ci.wait()
            cd.wait()
            ch.wait()
            g1 = pltpu.async_copy(T_hbm.at[cid].at[gidx_v], rows_v, semg)
            g1.wait()
            pltpu.sync_copy(rows_v, acc_s.at[dst_v], add=True)
            pltpu.sync_copy(ones_v, hist_s.at[hidx_v], add=True)
            return carry

        lax.fori_loop(lo, hi, _chunk, 0)
        plsc.subcore_barrier()

        for b in range(_RPT // _CHUNK):
            off = r0 + b * _CHUNK
            pltpu.sync_copy(acc_s.at[pl.ds(off, _CHUNK)], rows_v)
            pltpu.sync_copy(rows_v, acc_hbm.at[cid, pl.ds(off, _CHUNK)])
        for b in range(_HW // _NS // _HB):
            off = h0 + b * _HB
            pltpu.sync_copy(hist_s.at[pl.ds(off, _HB)], zb_v)
            pltpu.sync_copy(zb_v, hist_hbm.at[cid, pl.ds(off, _HB)])

    return sc_kernel


def _mean_body(acc_ref, h0_ref, h1_ref, q0_ref, q1_ref, o_ref):
    h0 = h0_ref[...]
    h1 = h1_ref[...]
    q = (jnp.dot(h0, q0_ref[...], preferred_element_type=jnp.float32)
         + jnp.dot(h1, q1_ref[...], preferred_element_type=jnp.float32))
    cnt = jnp.sum(h0 + h1, axis=1, keepdims=True)
    o_ref[...] = (acc_ref[...] + q) / jnp.maximum(cnt, 1.0)


def _segment_mean(acc_full, h0, h1, q0, q1):
    nb = 5
    rb = _NPAD // nb
    return pl.pallas_call(
        _mean_body,
        grid=(nb,),
        in_specs=[
            pl.BlockSpec((rb, _D), lambda i: (i, 0)),
            pl.BlockSpec((rb, _D), lambda i: (i, 0)),
            pl.BlockSpec((rb, _D), lambda i: (i, 0)),
            pl.BlockSpec((_D, _D), lambda i: (0, 0)),
            pl.BlockSpec((_D, _D), lambda i: (0, 0)),
        ],
        out_specs=pl.BlockSpec((rb, _D), lambda i: (i, 0)),
        out_shape=jax.ShapeDtypeStruct((_NPAD, _D), jnp.float32),
    )(acc_full, h0, h1, q0, q1)


def kernel(n_feats, edge_index, etype, r_feats, num_rels,
           W_I_w, W_I_b, W_O_w, W_O_b, W_R_w, W_R_b):
    w_stack = jnp.stack([W_I_w, W_O_w])
    T = _build_T(n_feats, w_stack)
    qneg, r_out = _build_rel(r_feats, W_I_w, W_O_w, W_R_w, W_I_b, W_O_b, W_R_b)

    T_split = jnp.stack([T[:, :_DH], T[:, _DH:]])
    q_pad = jnp.zeros((_NC, _D, _D), jnp.float32).at[:, :_RH, :].set(
        qneg.reshape(_NC, _RH, _D))

    src2 = edge_index[0].reshape(_E // _D, _D)
    et2 = etype.reshape(_E // _D, _D)
    dst2 = edge_index[1].reshape(_E // _D, _D)
    gidx, hidx0, hidx1 = _build_idx(src2, et2, dst2)
    gidx = gidx.reshape(_E)
    hidx = jnp.stack([hidx0.reshape(_E), hidx1.reshape(_E)])

    sc = _make_sc_kernel()
    acc, hist = sc(T_split, gidx, edge_index[1], hidx)

    acc_full = jnp.concatenate([acc[0], acc[1]], axis=1)
    hist = hist.reshape(_NC, _NPAD, _RH)
    h_pad = jnp.zeros((_NC, _NPAD, _D), jnp.float32).at[:, :, :_RH].set(hist)

    n_out = _segment_mean(acc_full, h_pad[0], h_pad[1],
                          q_pad[0], q_pad[1])[:_N]
    return (n_out, r_out)

# --- scband reference (transcript-rebuilt; emitter-appended) ---
"""Pipeline reference for scband-comp-graph-conv-37263136260548 (READ-ONLY COPY).

The authoritative reference and input builder live on the scoring server;
editing this copy changes nothing except your own understanding.
"""

import jax, jax.numpy as jnp
import numpy as np

N = 10000
E = 320000
D_IN = 128
D_OUT = 128
NUM_RELS = 200


def setup_inputs(seed: int = 0) -> dict:
    key = jax.random.key(seed)
    ks = jax.random.split(key, 12)
    n_feats = jax.random.normal(ks[0], (N, D_IN), dtype=jnp.float32)
    edge_index = jax.random.randint(ks[1], (2, E), 0, N, dtype=jnp.int32)
    etype = jax.random.randint(ks[2], (E,), 0, NUM_RELS, dtype=jnp.int32)
    r_feats = jax.random.normal(ks[3], (NUM_RELS, D_IN), dtype=jnp.float32)
    # Linear layer params (weight stored as [in, out] for x @ W + b)
    gain = np.sqrt(2.0)  # calculate_gain('relu')
    xav = gain * np.sqrt(6.0 / (D_IN + D_OUT))
    W_I_w = jax.random.uniform(ks[4], (D_IN, D_OUT), minval=-xav, maxval=xav, dtype=jnp.float32)
    W_I_b = jnp.zeros((D_OUT,), dtype=jnp.float32)
    W_O_w = jax.random.uniform(ks[5], (D_IN, D_OUT), minval=-xav, maxval=xav, dtype=jnp.float32)
    W_O_b = jnp.zeros((D_OUT,), dtype=jnp.float32)
    lim = np.sqrt(1.0 / D_IN)
    W_R_w = jax.random.uniform(ks[6], (D_IN, D_OUT), minval=-lim, maxval=lim, dtype=jnp.float32)
    W_R_b = jax.random.uniform(ks[7], (D_OUT,), minval=-lim, maxval=lim, dtype=jnp.float32)
    return {
        'n_feats': n_feats,
        'edge_index': edge_index,
        'etype': etype,
        'r_feats': r_feats,
        'num_rels': int(NUM_RELS),
        'W_I_w': W_I_w, 'W_I_b': W_I_b,
        'W_O_w': W_O_w, 'W_O_b': W_O_b,
        'W_R_w': W_R_w, 'W_R_b': W_R_b,
    }


def reference(n_feats, edge_index, etype, r_feats, num_rels,
              W_I_w, W_I_b, W_O_w, W_O_b, W_R_w, W_R_b):
    # comp_fn='sub', self_loop=False, batchnorm=False, activation=None,
    # dropout is identity in eval mode.
    src = edge_index[0]
    dst = edge_index[1]
    h_src = jnp.take(n_feats, src, axis=0)          # gather node feats per edge
    h_e = jnp.take(r_feats, etype, axis=0)          # gather relation feats per edge
    comp_h = h_src - h_e                            # u_sub_e
    out_I = comp_h @ W_I_w + W_I_b
    out_O = comp_h @ W_O_w + W_O_b
    mask = (etype < (num_rels // 2))[:, None]
    new_comp_h = jnp.where(mask, out_I, out_O)
    # update_all(copy_e, mean('m','comp_edge')): mean over incoming edges per dst node
    sums = jax.ops.segment_sum(new_comp_h, dst, num_segments=N)
    counts = jax.ops.segment_sum(jnp.ones((E,), dtype=jnp.float32), dst, num_segments=N)
    n_out_feats = sums / jnp.maximum(counts, 1.0)[:, None]
    r_out_feats = r_feats @ W_R_w + W_R_b
    return (n_out_feats, r_out_feats)

if __name__ == "__main__":
    import jax
    _d = setup_inputs()
    print(jax.jit(kernel)(*tuple(_d.values())))

</pallas_src>

<mosaic_0001>
#map = affine_map<(d0, d1) -> (0, 0, 0)>
#map1 = affine_map<(d0, d1) -> (0)>
#map2 = affine_map<(d0, d1) -> (0, 0)>
module attributes {stable_mosaic.version = 14 : i64} {
  func.func @sc_kernel(%arg0: i32, %arg1: i32, %arg2: memref<2x20000x64xf32, #tpu.memory_space<hbm>>, %arg3: memref<320000xi32, #tpu.memory_space<hbm>>, %arg4: memref<320000xi32, #tpu.memory_space<hbm>>, %arg5: memref<2x320000xi32, #tpu.memory_space<hbm>>, %arg6: memref<2x10240x64xf32, #tpu.memory_space<hbm>>, %arg7: memref<2x1024000xf32, #tpu.memory_space<hbm>>, %arg8: memref<128xi32, #tpu.memory_space<vmem>>, %arg9: memref<128xi32, #tpu.memory_space<vmem>>, %arg10: memref<128xi32, #tpu.memory_space<vmem>>, %arg11: memref<128x64xf32, #tpu.memory_space<vmem>>, %arg12: memref<8000xf32, #tpu.memory_space<vmem>>, %arg13: memref<128xf32, #tpu.memory_space<vmem>>, %arg14: memref<10240x64xf32, #tpu.memory_space<vmem_shared>>, %arg15: memref<1024000xf32, #tpu.memory_space<vmem_shared>>, %arg16: memref<!tpu.dma_semaphore, #tpu.memory_space<semaphore_mem>>, %arg17: memref<!tpu.dma_semaphore, #tpu.memory_space<semaphore_mem>>) attributes {dimension_semantics = [#tpu.dimension_semantics<core_parallel>, #tpu.dimension_semantics<subcore_parallel>], iteration_bounds = array<i64: 2, 16>, scalar_prefetch = 0 : i64, scratch_operands = 10 : i64, tpu.core_type = #tpu.core_type<sc_vector_subcore>, window_params = [{transform_indices = #map}, {transform_indices = #map1}, {transform_indices = #map1}, {transform_indices = #map2}, {transform_indices = #map}, {transform_indices = #map2}]} {
    %mul3A = arith.constant 640 : i32
    %mul3A_0 = arith.muli %arg1, %mul3A : i32
    %mul3A_1 = arith.constant 64000 : i32
    %mul3A_2 = arith.muli %arg1, %mul3A_1 : i32
    %broadcast_in_dim3A = arith.constant 0.000000e+00 : f32
    %broadcast_in_dim3A_3 = vector.broadcast %broadcast_in_dim3A : f32 to vector<16xf32>
    %broadcast_in_dim3A_4 = arith.constant 1.000000e+00 : f32
    %broadcast_in_dim3A_5 = vector.broadcast %broadcast_in_dim3A_4 : f32 to vector<16xf32>
    %scan3A = arith.constant 0 : i32
    %scan3A_6 = arith.constant 0 : i32
    %scan3A_7 = arith.constant 500 : i32
    %scan3A_8 = arith.addi %scan3A_6, %scan3A_7 : i32
    %scan3A_9 = arith.constant 1 : i32
    scf.for %scan3A_154 = %scan3A_6 to %scan3A_8 step %scan3A_9  : i32 {
      %mul3A_155 = arith.constant 16 : i32
      %mul3A_156 = arith.muli %scan3A_154, %mul3A_155 : i32
      %swap3A_157 = arith.index_cast %mul3A_156 : i32 to index
      %swap3A_158 = tpu.vector_load %arg12[%swap3A_157] {strides = array<i32>} : memref<8000xf32, #tpu.memory_space<vmem>>, vector<16xf32>,
      %swap3A_159 = vector.shape_cast %swap3A_158 : vector<16xf32> to vector<16xf32>
      %swap3A_160 = vector.shape_cast %broadcast_in_dim3A_3 : vector<16xf32> to vector<16xf32>
      tpu.vector_store %arg12[%swap3A_157], %swap3A_160 {strides = array<i32>} : memref<8000xf32, #tpu.memory_space<vmem>>, vector<16xf32>,
    }
    %scan3A_10 = arith.constant 500 : i32
    %scan3A_11 = arith.constant 0 : i32
    %scan3A_12 = arith.constant 0 : i32
    %scan3A_13 = arith.constant 128 : i32
    %scan3A_14 = arith.addi %scan3A_12, %scan3A_13 : i32
    %scan3A_15 = arith.constant 1 : i32
    scf.for %scan3A_154 = %scan3A_12 to %scan3A_14 step %scan3A_15  : i32 {
      %swap3A_155 = arith.index_cast %scan3A_154 : i32 to index
      %swap3A_156 = arith.constant 0 : index
      %swap3A_157 = tpu.vector_load %arg11[%swap3A_155, %swap3A_156] {strides = array<i32>} : memref<128x64xf32, #tpu.memory_space<vmem>>, vector<1x16xf32>,
      %swap3A_158 = vector.shape_cast %swap3A_157 : vector<1x16xf32> to vector<16xf32>
      %swap3A_159 = vector.shape_cast %broadcast_in_dim3A_3 : vector<16xf32> to vector<1x16xf32>
      tpu.vector_store %arg11[%swap3A_155, %swap3A_156], %swap3A_159 {strides = array<i32>} : memref<128x64xf32, #tpu.memory_space<vmem>>, vector<1x16xf32>,
      %swap3A_160 = arith.index_cast %scan3A_154 : i32 to index
      %swap3A_161 = arith.constant 16 : index
      %swap3A_162 = tpu.vector_load %arg11[%swap3A_160, %swap3A_161] {strides = array<i32>} : memref<128x64xf32, #tpu.memory_space<vmem>>, vector<1x16xf32>,
      %swap3A_163 = vector.shape_cast %swap3A_162 : vector<1x16xf32> to vector<16xf32>
      %swap3A_164 = vector.shape_cast %broadcast_in_dim3A_3 : vector<16xf32> to vector<1x16xf32>
      tpu.vector_store %arg11[%swap3A_160, %swap3A_161], %swap3A_164 {strides = array<i32>} : memref<128x64xf32, #tpu.memory_space<vmem>>, vector<1x16xf32>,
      %swap3A_165 = arith.index_cast %scan3A_154 : i32 to index
      %swap3A_166 = arith.constant 32 : index
      %swap3A_167 = tpu.vector_load %arg11[%swap3A_165, %swap3A_166] {strides = array<i32>} : memref<128x64xf32, #tpu.memory_space<vmem>>, vector<1x16xf32>,
      %swap3A_168 = vector.shape_cast %swap3A_167 : vector<1x16xf32> to vector<16xf32>
      %swap3A_169 = vector.shape_cast %broadcast_in_dim3A_3 : vector<16xf32> to vector<1x16xf32>
      tpu.vector_store %arg11[%swap3A_165, %swap3A_166], %swap3A_169 {strides = array<i32>} : memref<128x64xf32, #tpu.memory_space<vmem>>, vector<1x16xf32>,
      %swap3A_170 = arith.index_cast %scan3A_154 : i32 to index
      %swap3A_171 = arith.constant 48 : index
      %swap3A_172 = tpu.vector_load %arg11[%swap3A_170, %swap3A_171] {strides = array<i32>} : memref<128x64xf32, #tpu.memory_space<vmem>>, vector<1x16xf32>,
      %swap3A_173 = vector.shape_cast %swap3A_172 : vector<1x16xf32> to vector<16xf32>
      %swap3A_174 = vector.shape_cast %broadcast_in_dim3A_3 : vector<16xf32> to vector<1x16xf32>
      tpu.vector_store %arg11[%swap3A_170, %swap3A_171], %swap3A_174 {strides = array<i32>} : memref<128x64xf32, #tpu.memory_space<vmem>>, vector<1x16xf32>,
    }
    %scan3A_16 = arith.constant 128 : i32
    %swap3A = arith.constant 0 : index
    %swap3A_17 = tpu.vector_load %arg13[%swap3A] {strides = array<i32>} : memref<128xf32, #tpu.memory_space<vmem>>, vector<16xf32>,
    %swap3A_18 = vector.shape_cast %swap3A_17 : vector<16xf32> to vector<16xf32>
    %swap3A_19 = vector.shape_cast %broadcast_in_dim3A_5 : vector<16xf32> to vector<16xf32>
    tpu.vector_store %arg13[%swap3A], %swap3A_19 {strides = array<i32>} : memref<128xf32, #tpu.memory_space<vmem>>, vector<16xf32>,
    %swap3A_20 = arith.constant 16 : index
    %swap3A_21 = tpu.vector_load %arg13[%swap3A_20] {strides = array<i32>} : memref<128xf32, #tpu.memory_space<vmem>>, vector<16xf32>,
    %swap3A_22 = vector.shape_cast %swap3A_21 : vector<16xf32> to vector<16xf32>
    %swap3A_23 = vector.shape_cast %broadcast_in_dim3A_5 : vector<16xf32> to vector<16xf32>
    tpu.vector_store %arg13[%swap3A_20], %swap3A_23 {strides = array<i32>} : memref<128xf32, #tpu.memory_space<vmem>>, vector<16xf32>,
    %swap3A_24 = arith.constant 32 : index
    %swap3A_25 = tpu.vector_load %arg13[%swap3A_24] {strides = array<i32>} : memref<128xf32, #tpu.memory_space<vmem>>, vector<16xf32>,
    %swap3A_26 = vector.shape_cast %swap3A_25 : vector<16xf32> to vector<16xf32>
    %swap3A_27 = vector.shape_cast %broadcast_in_dim3A_5 : vector<16xf32> to vector<16xf32>
    tpu.vector_store %arg13[%swap3A_24], %swap3A_27 {strides = array<i32>} : memref<128xf32, #tpu.memory_space<vmem>>, vector<16xf32>,
    %swap3A_28 = arith.constant 48 : index
    %swap3A_29 = tpu.vector_load %arg13[%swap3A_28] {strides = array<i32>} : memref<128xf32, #tpu.memory_space<vmem>>, vector<16xf32>,
    %swap3A_30 = vector.shape_cast %swap3A_29 : vector<16xf32> to vector<16xf32>
    %swap3A_31 = vector.shape_cast %broadcast_in_dim3A_5 : vector<16xf32> to vector<16xf32>
    tpu.vector_store %arg13[%swap3A_28], %swap3A_31 {strides = array<i32>} : memref<128xf32, #tpu.memory_space<vmem>>, vector<16xf32>,
    %swap3A_32 = arith.constant 64 : index
    %swap3A_33 = tpu.vector_load %arg13[%swap3A_32] {strides = array<i32>} : memref<128xf32, #tpu.memory_space<vmem>>, vector<16xf32>,
    %swap3A_34 = vector.shape_cast %swap3A_33 : vector<16xf32> to vector<16xf32>
    %swap3A_35 = vector.shape_cast %broadcast_in_dim3A_5 : vector<16xf32> to vector<16xf32>
    tpu.vector_store %arg13[%swap3A_32], %swap3A_35 {strides = array<i32>} : memref<128xf32, #tpu.memory_space<vmem>>, vector<16xf32>,
    %swap3A_36 = arith.constant 80 : index
    %swap3A_37 = tpu.vector_load %arg13[%swap3A_36] {strides = array<i32>} : memref<128xf32, #tpu.memory_space<vmem>>, vector<16xf32>,
    %swap3A_38 = vector.shape_cast %swap3A_37 : vector<16xf32> to vector<16xf32>
    %swap3A_39 = vector.shape_cast %broadcast_in_dim3A_5 : vector<16xf32> to vector<16xf32>
    tpu.vector_store %arg13[%swap3A_36], %swap3A_39 {strides = array<i32>} : memref<128xf32, #tpu.memory_space<vmem>>, vector<16xf32>,
    %swap3A_40 = arith.constant 96 : index
    %swap3A_41 = tpu.vector_load %arg13[%swap3A_40] {strides = array<i32>} : memref<128xf32, #tpu.memory_space<vmem>>, vector<16xf32>,
    %swap3A_42 = vector.shape_cast %swap3A_41 : vector<16xf32> to vector<16xf32>
    %swap3A_43 = vector.shape_cast %broadcast_in_dim3A_5 : vector<16xf32> to vector<16xf32>
    tpu.vector_store %arg13[%swap3A_40], %swap3A_43 {strides = array<i32>} : memref<128xf32, #tpu.memory_space<vmem>>, vector<16xf32>,
    %swap3A_44 = arith.constant 112 : index
    %swap3A_45 = tpu.vector_load %arg13[%swap3A_44] {strides = array<i32>} : memref<128xf32, #tpu.memory_space<vmem>>, vector<16xf32>,
    %swap3A_46 = vector.shape_cast %swap3A_45 : vector<16xf32> to vector<16xf32>
    %swap3A_47 = vector.shape_cast %broadcast_in_dim3A_5 : vector<16xf32> to vector<16xf32>
    tpu.vector_store %arg13[%swap3A_44], %swap3A_47 {strides = array<i32>} : memref<128xf32, #tpu.memory_space<vmem>>, vector<16xf32>,
    %add3A = arith.constant 0 : i32
    %add3A_48 = arith.addi %mul3A_0, %add3A : i32
    "tpu.region"() ({
      %run_scoped3A = tpu.sem_alloc : memref<!tpu.dma_semaphore, #tpu.memory_space<semaphore_mem>>
      %dma_start3A = arith.constant 0 : i32
      %dma_start3A_154 = tpu.memref_slice %arg14[%add3A_48, %dma_start3A] : memref<10240x64xf32, #tpu.memory_space<vmem_shared>> -> memref<128x64xf32, #tpu.memory_space<vmem_shared>>
      %dma_start3A_155 = arith.constant 0 : i32
      %dma_start3A_156 = tpu.memref_slice %arg14[%add3A_48, %dma_start3A_155] : memref<10240x64xf32, #tpu.memory_space<vmem_shared>> -> memref<128x64xf32, #tpu.memory_space<vmem_shared>>
      tpu.enqueue_dma source(%arg11 : memref<128x64xf32, #tpu.memory_space<vmem>>) target(%dma_start3A_156 : memref<128x64xf32, #tpu.memory_space<vmem_shared>>) target_semaphore(%run_scoped3A : memref<!tpu.dma_semaphore, #tpu.memory_space<semaphore_mem>>)
      %dma_wait3A = arith.constant 0 : i32
      %dma_wait3A_157 = tpu.memref_slice %arg14[%add3A_48, %dma_wait3A] : memref<10240x64xf32, #tpu.memory_space<vmem_shared>> -> memref<128x64xf32, #tpu.memory_space<vmem_shared>>
      %dma_wait3A_158 = arith.constant 0 : i32
      %dma_wait3A_159 = tpu.memref_slice %arg14[%add3A_48, %dma_wait3A_158] : memref<10240x64xf32, #tpu.memory_space<vmem_shared>> -> memref<128x64xf32, #tpu.memory_space<vmem_shared>>
      tpu.wait_dma2 semaphore(%run_scoped3A : memref<!tpu.dma_semaphore, #tpu.memory_space<semaphore_mem>>) src(%arg11 : memref<128x64xf32, #tpu.memory_space<vmem>>) dst(%dma_wait3A_159 : memref<128x64xf32, #tpu.memory_space<vmem_shared>>)
      tpu.yield
    }) : () -> ()
    %add3A_49 = arith.constant 128 : i32
    %add3A_50 = arith.addi %mul3A_0, %add3A_49 : i32
    "tpu.region"() ({
      %run_scoped3A = tpu.sem_alloc : memref<!tpu.dma_semaphore, #tpu.memory_space<semaphore_mem>>
      %dma_start3A = arith.constant 0 : i32
      %dma_start3A_154 = tpu.memref_slice %arg14[%add3A_50, %dma_start3A] : memref<10240x64xf32, #tpu.memory_space<vmem_shared>> -> memref<128x64xf32, #tpu.memory_space<vmem_shared>>
      %dma_start3A_155 = arith.constant 0 : i32
      %dma_start3A_156 = tpu.memref_slice %arg14[%add3A_50, %dma_start3A_155] : memref<10240x64xf32, #tpu.memory_space<vmem_shared>> -> memref<128x64xf32, #tpu.memory_space<vmem_shared>>
      tpu.enqueue_dma source(%arg11 : memref<128x64xf32, #tpu.memory_space<vmem>>) target(%dma_start3A_156 : memref<128x64xf32, #tpu.memory_space<vmem_shared>>) target_semaphore(%run_scoped3A : memref<!tpu.dma_semaphore, #tpu.memory_space<semaphore_mem>>)
      %dma_wait3A = arith.constant 0 : i32
      %dma_wait3A_157 = tpu.memref_slice %arg14[%add3A_50, %dma_wait3A] : memref<10240x64xf32, #tpu.memory_space<vmem_shared>> -> memref<128x64xf32, #tpu.memory_space<vmem_shared>>
      %dma_wait3A_158 = arith.constant 0 : i32
      %dma_wait3A_159 = tpu.memref_slice %arg14[%add3A_50, %dma_wait3A_158] : memref<10240x64xf32, #tpu.memory_space<vmem_shared>> -> memref<128x64xf32, #tpu.memory_space<vmem_shared>>
      tpu.wait_dma2 semaphore(%run_scoped3A : memref<!tpu.dma_semaphore, #tpu.memory_space<semaphore_mem>>) src(%arg11 : memref<128x64xf32, #tpu.memory_space<vmem>>) dst(%dma_wait3A_159 : memref<128x64xf32, #tpu.memory_space<vmem_shared>>)
      tpu.yield
    }) : () -> ()
    %add3A_51 = arith.constant 256 : i32
    %add3A_52 = arith.addi %mul3A_0, %add3A_51 : i32
    "tpu.region"() ({
      %run_scoped3A = tpu.sem_alloc : memref<!tpu.dma_semaphore, #tpu.memory_space<semaphore_mem>>
      %dma_start3A = arith.constant 0 : i32
      %dma_start3A_154 = tpu.memref_slice %arg14[%add3A_52, %dma_start3A] : memref<10240x64xf32, #tpu.memory_space<vmem_shared>> -> memref<128x64xf32, #tpu.memory_space<vmem_shared>>
      %dma_start3A_155 = arith.constant 0 : i32
      %dma_start3A_156 = tpu.memref_slice %arg14[%add3A_52, %dma_start3A_155] : memref<10240x64xf32, #tpu.memory_space<vmem_shared>> -> memref<128x64xf32, #tpu.memory_space<vmem_shared>>
      tpu.enqueue_dma source(%arg11 : memref<128x64xf32, #tpu.memory_space<vmem>>) target(%dma_start3A_156 : memref<128x64xf32, #tpu.memory_space<vmem_shared>>) target_semaphore(%run_scoped3A : memref<!tpu.dma_semaphore, #tpu.memory_space<semaphore_mem>>)
      %dma_wait3A = arith.constant 0 : i32
      %dma_wait3A_157 = tpu.memref_slice %arg14[%add3A_52, %dma_wait3A] : memref<10240x64xf32, #tpu.memory_space<vmem_shared>> -> memref<128x64xf32, #tpu.memory_space<vmem_shared>>
      %dma_wait3A_158 = arith.constant 0 : i32
      %dma_wait3A_159 = tpu.memref_slice %arg14[%add3A_52, %dma_wait3A_158] : memref<10240x64xf32, #tpu.memory_space<vmem_shared>> -> memref<128x64xf32, #tpu.memory_space<vmem_shared>>
      tpu.wait_dma2 semaphore(%run_scoped3A : memref<!tpu.dma_semaphore, #tpu.memory_space<semaphore_mem>>) src(%arg11 : memref<128x64xf32, #tpu.memory_space<vmem>>) dst(%dma_wait3A_159 : memref<128x64xf32, #tpu.memory_space<vmem_shared>>)
      tpu.yield
    }) : () -> ()
    %add3A_53 = arith.constant 384 : i32
    %add3A_54 = arith.addi %mul3A_0, %add3A_53 : i32
    "tpu.region"() ({
      %run_scoped3A = tpu.sem_alloc : memref<!tpu.dma_semaphore, #tpu.memory_space<semaphore_mem>>
      %dma_start3A = arith.constant 0 : i32
      %dma_start3A_154 = tpu.memref_slice %arg14[%add3A_54, %dma_start3A] : memref<10240x64xf32, #tpu.memory_space<vmem_shared>> -> memref<128x64xf32, #tpu.memory_space<vmem_shared>>
      %dma_start3A_155 = arith.constant 0 : i32
      %dma_start3A_156 = tpu.memref_slice %arg14[%add3A_54, %dma_start3A_155] : memref<10240x64xf32, #tpu.memory_space<vmem_shared>> -> memref<128x64xf32, #tpu.memory_space<vmem_shared>>
      tpu.enqueue_dma source(%arg11 : memref<128x64xf32, #tpu.memory_space<vmem>>) target(%dma_start3A_156 : memref<128x64xf32, #tpu.memory_space<vmem_shared>>) target_semaphore(%run_scoped3A : memref<!tpu.dma_semaphore, #tpu.memory_space<semaphore_mem>>)
      %dma_wait3A = arith.constant 0 : i32
      %dma_wait3A_157 = tpu.memref_slice %arg14[%add3A_54, %dma_wait3A] : memref<10240x64xf32, #tpu.memory_space<vmem_shared>> -> memref<128x64xf32, #tpu.memory_space<vmem_shared>>
      %dma_wait3A_158 = arith.constant 0 : i32
      %dma_wait3A_159 = tpu.memref_slice %arg14[%add3A_54, %dma_wait3A_158] : memref<10240x64xf32, #tpu.memory_space<vmem_shared>> -> memref<128x64xf32, #tpu.memory_space<vmem_shared>>
      tpu.wait_dma2 semaphore(%run_scoped3A : memref<!tpu.dma_semaphore, #tpu.memory_space<semaphore_mem>>) src(%arg11 : memref<128x64xf32, #tpu.memory_space<vmem>>) dst(%dma_wait3A_159 : memref<128x64xf32, #tpu.memory_space<vmem_shared>>)
      tpu.yield
    }) : () -> ()
    %add3A_55 = arith.constant 512 : i32
    %add3A_56 = arith.addi %mul3A_0, %add3A_55 : i32
    "tpu.region"() ({
      %run_scoped3A = tpu.sem_alloc : memref<!tpu.dma_semaphore, #tpu.memory_space<semaphore_mem>>
      %dma_start3A = arith.constant 0 : i32
      %dma_start3A_154 = tpu.memref_slice %arg14[%add3A_56, %dma_start3A] : memref<10240x64xf32, #tpu.memory_space<vmem_shared>> -> memref<128x64xf32, #tpu.memory_space<vmem_shared>>
      %dma_start3A_155 = arith.constant 0 : i32
      %dma_start3A_156 = tpu.memref_slice %arg14[%add3A_56, %dma_start3A_155] : memref<10240x64xf32, #tpu.memory_space<vmem_shared>> -> memref<128x64xf32, #tpu.memory_space<vmem_shared>>
      tpu.enqueue_dma source(%arg11 : memref<128x64xf32, #tpu.memory_space<vmem>>) target(%dma_start3A_156 : memref<128x64xf32, #tpu.memory_space<vmem_shared>>) target_semaphore(%run_scoped3A : memref<!tpu.dma_semaphore, #tpu.memory_space<semaphore_mem>>)
      %dma_wait3A = arith.constant 0 : i32
      %dma_wait3A_157 = tpu.memref_slice %arg14[%add3A_56, %dma_wait3A] : memref<10240x64xf32, #tpu.memory_space<vmem_shared>> -> memref<128x64xf32, #tpu.memory_space<vmem_shared>>
      %dma_wait3A_158 = arith.constant 0 : i32
      %dma_wait3A_159 = tpu.memref_slice %arg14[%add3A_56, %dma_wait3A_158] : memref<10240x64xf32, #tpu.memory_space<vmem_shared>> -> memref<128x64xf32, #tpu.memory_space<vmem_shared>>
      tpu.wait_dma2 semaphore(%run_scoped3A : memref<!tpu.dma_semaphore, #tpu.memory_space<semaphore_mem>>) src(%arg11 : memref<128x64xf32, #tpu.memory_space<vmem>>) dst(%dma_wait3A_159 : memref<128x64xf32, #tpu.memory_space<vmem_shared>>)
      tpu.yield
    }) : () -> ()
    %add3A_57 = arith.constant 0 : i32
    %add3A_58 = arith.addi %mul3A_2, %add3A_57 : i32
    "tpu.region"() ({
      %run_scoped3A = tpu.sem_alloc : memref<!tpu.dma_semaphore, #tpu.memory_space<semaphore_mem>>
      %dma_start3A = tpu.memref_slice %arg15[%add3A_58] : memref<1024000xf32, #tpu.memory_space<vmem_shared>> -> memref<8000xf32, #tpu.memory_space<vmem_shared>>
      %dma_start3A_154 = tpu.memref_slice %arg15[%add3A_58] : memref<1024000xf32, #tpu.memory_space<vmem_shared>> -> memref<8000xf32, #tpu.memory_space<vmem_shared>>
      tpu.enqueue_dma source(%arg12 : memref<8000xf32, #tpu.memory_space<vmem>>) target(%dma_start3A_154 : memref<8000xf32, #tpu.memory_space<vmem_shared>>) target_semaphore(%run_scoped3A : memref<!tpu.dma_semaphore, #tpu.memory_space<semaphore_mem>>)
      %dma_wait3A = tpu.memref_slice %arg15[%add3A_58] : memref<1024000xf32, #tpu.memory_space<vmem_shared>> -> memref<8000xf32, #tpu.memory_space<vmem_shared>>
      %dma_wait3A_155 = tpu.memref_slice %arg15[%add3A_58] : memref<1024000xf32, #tpu.memory_space<vmem_shared>> -> memref<8000xf32, #tpu.memory_space<vmem_shared>>
      tpu.wait_dma2 semaphore(%run_scoped3A : memref<!tpu.dma_semaphore, #tpu.memory_space<semaphore_mem>>) src(%arg12 : memref<8000xf32, #tpu.memory_space<vmem>>) dst(%dma_wait3A_155 : memref<8000xf32, #tpu.memory_space<vmem_shared>>)
      tpu.yield
    }) : () -> ()
    %add3A_59 = arith.constant 8000 : i32
    %add3A_60 = arith.addi %mul3A_2, %add3A_59 : i32
    "tpu.region"() ({
      %run_scoped3A = tpu.sem_alloc : memref<!tpu.dma_semaphore, #tpu.memory_space<semaphore_mem>>
      %dma_start3A = tpu.memref_slice %arg15[%add3A_60] : memref<1024000xf32, #tpu.memory_space<vmem_shared>> -> memref<8000xf32, #tpu.memory_space<vmem_shared>>
      %dma_start3A_154 = tpu.memref_slice %arg15[%add3A_60] : memref<1024000xf32, #tpu.memory_space<vmem_shared>> -> memref<8000xf32, #tpu.memory_space<vmem_shared>>
      tpu.enqueue_dma source(%arg12 : memref<8000xf32, #tpu.memory_space<vmem>>) target(%dma_start3A_154 : memref<8000xf32, #tpu.memory_space<vmem_shared>>) target_semaphore(%run_scoped3A : memref<!tpu.dma_semaphore, #tpu.memory_space<semaphore_mem>>)
      %dma_wait3A = tpu.memref_slice %arg15[%add3A_60] : memref<1024000xf32, #tpu.memory_space<vmem_shared>> -> memref<8000xf32, #tpu.memory_space<vmem_shared>>
      %dma_wait3A_155 = tpu.memref_slice %arg15[%add3A_60] : memref<1024000xf32, #tpu.memory_space<vmem_shared>> -> memref<8000xf32, #tpu.memory_space<vmem_shared>>
      tpu.wait_dma2 semaphore(%run_scoped3A : memref<!tpu.dma_semaphore, #tpu.memory_space<semaphore_mem>>) src(%arg12 : memref<8000xf32, #tpu.memory_space<vmem>>) dst(%dma_wait3A_155 : memref<8000xf32, #tpu.memory_space<vmem_shared>>)
      tpu.yield
    }) : () -> ()
    %add3A_61 = arith.constant 16000 : i32
    %add3A_62 = arith.addi %mul3A_2, %add3A_61 : i32
    "tpu.region"() ({
      %run_scoped3A = tpu.sem_alloc : memref<!tpu.dma_semaphore, #tpu.memory_space<semaphore_mem>>
      %dma_start3A = tpu.memref_slice %arg15[%add3A_62] : memref<1024000xf32, #tpu.memory_space<vmem_shared>> -> memref<8000xf32, #tpu.memory_space<vmem_shared>>
      %dma_start3A_154 = tpu.memref_slice %arg15[%add3A_62] : memref<1024000xf32, #tpu.memory_space<vmem_shared>> -> memref<8000xf32, #tpu.memory_space<vmem_shared>>
      tpu.enqueue_dma source(%arg12 : memref<8000xf32, #tpu.memory_space<vmem>>) target(%dma_start3A_154 : memref<8000xf32, #tpu.memory_space<vmem_shared>>) target_semaphore(%run_scoped3A : memref<!tpu.dma_semaphore, #tpu.memory_space<semaphore_mem>>)
      %dma_wait3A = tpu.memref_slice %arg15[%add3A_62] : memref<1024000xf32, #tpu.memory_space<vmem_shared>> -> memref<8000xf32, #tpu.memory_space<vmem_shared>>
      %dma_wait3A_155 = tpu.memref_slice %arg15[%add3A_62] : memref<1024000xf32, #tpu.memory_space<vmem_shared>> -> memref<8000xf32, #tpu.memory_space<vmem_shared>>
      tpu.wait_dma2 semaphore(%run_scoped3A : memref<!tpu.dma_semaphore, #tpu.memory_space<semaphore_mem>>) src(%arg12 : memref<8000xf32, #tpu.memory_space<vmem>>) dst(%dma_wait3A_155 : memref<8000xf32, #tpu.memory_space<vmem_shared>>)
      tpu.yield
    }) : () -> ()
    %add3A_63 = arith.constant 24000 : i32
    %add3A_64 = arith.addi %mul3A_2, %add3A_63 : i32
    "tpu.region"() ({
      %run_scoped3A = tpu.sem_alloc : memref<!tpu.dma_semaphore, #tpu.memory_space<semaphore_mem>>
      %dma_start3A = tpu.memref_slice %arg15[%add3A_64] : memref<1024000xf32, #tpu.memory_space<vmem_shared>> -> memref<8000xf32, #tpu.memory_space<vmem_shared>>
      %dma_start3A_154 = tpu.memref_slice %arg15[%add3A_64] : memref<1024000xf32, #tpu.memory_space<vmem_shared>> -> memref<8000xf32, #tpu.memory_space<vmem_shared>>
      tpu.enqueue_dma source(%arg12 : memref<8000xf32, #tpu.memory_space<vmem>>) target(%dma_start3A_154 : memref<8000xf32, #tpu.memory_space<vmem_shared>>) target_semaphore(%run_scoped3A : memref<!tpu.dma_semaphore, #tpu.memory_space<semaphore_mem>>)
      %dma_wait3A = tpu.memref_slice %arg15[%add3A_64] : memref<1024000xf32, #tpu.memory_space<vmem_shared>> -> memref<8000xf32, #tpu.memory_space<vmem_shared>>
      %dma_wait3A_155 = tpu.memref_slice %arg15[%add3A_64] : memref<1024000xf32, #tpu.memory_space<vmem_shared>> -> memref<8000xf32, #tpu.memory_space<vmem_shared>>
      tpu.wait_dma2 semaphore(%run_scoped3A : memref<!tpu.dma_semaphore, #tpu.memory_space<semaphore_mem>>) src(%arg12 : memref<8000xf32, #tpu.memory_space<vmem>>) dst(%dma_wait3A_155 : memref<8000xf32, #tpu.memory_space<vmem_shared>>)
      tpu.yield
    }) : () -> ()
    %add3A_65 = arith.constant 32000 : i32
    %add3A_66 = arith.addi %mul3A_2, %add3A_65 : i32
    "tpu.region"() ({
      %run_scoped3A = tpu.sem_alloc : memref<!tpu.dma_semaphore, #tpu.memory_space<semaphore_mem>>
      %dma_start3A = tpu.memref_slice %arg15[%add3A_66] : memref<1024000xf32, #tpu.memory_space<vmem_shared>> -> memref<8000xf32, #tpu.memory_space<vmem_shared>>
      %dma_start3A_154 = tpu.memref_slice %arg15[%add3A_66] : memref<1024000xf32, #tpu.memory_space<vmem_shared>> -> memref<8000xf32, #tpu.memory_space<vmem_shared>>
      tpu.enqueue_dma source(%arg12 : memref<8000xf32, #tpu.memory_space<vmem>>) target(%dma_start3A_154 : memref<8000xf32, #tpu.memory_space<vmem_shared>>) target_semaphore(%run_scoped3A : memref<!tpu.dma_semaphore, #tpu.memory_space<semaphore_mem>>)
      %dma_wait3A = tpu.memref_slice %arg15[%add3A_66] : memref<1024000xf32, #tpu.memory_space<vmem_shared>> -> memref<8000xf32, #tpu.memory_space<vmem_shared>>
      %dma_wait3A_155 = tpu.memref_slice %arg15[%add3A_66] : memref<1024000xf32, #tpu.memory_space<vmem_shared>> -> memref<8000xf32, #tpu.memory_space<vmem_shared>>
      tpu.wait_dma2 semaphore(%run_scoped3A : memref<!tpu.dma_semaphore, #tpu.memory_space<semaphore_mem>>) src(%arg12 : memref<8000xf32, #tpu.memory_space<vmem>>) dst(%dma_wait3A_155 : memref<8000xf32, #tpu.memory_space<vmem_shared>>)
      tpu.yield
    }) : () -> ()
    %add3A_67 = arith.constant 40000 : i32
    %add3A_68 = arith.addi %mul3A_2, %add3A_67 : i32
    "tpu.region"() ({
      %run_scoped3A = tpu.sem_alloc : memref<!tpu.dma_semaphore, #tpu.memory_space<semaphore_mem>>
      %dma_start3A = tpu.memref_slice %arg15[%add3A_68] : memref<1024000xf32, #tpu.memory_space<vmem_shared>> -> memref<8000xf32, #tpu.memory_space<vmem_shared>>
      %dma_start3A_154 = tpu.memref_slice %arg15[%add3A_68] : memref<1024000xf32, #tpu.memory_space<vmem_shared>> -> memref<8000xf32, #tpu.memory_space<vmem_shared>>
      tpu.enqueue_dma source(%arg12 : memref<8000xf32, #tpu.memory_space<vmem>>) target(%dma_start3A_154 : memref<8000xf32, #tpu.memory_space<vmem_shared>>) target_semaphore(%run_scoped3A : memref<!tpu.dma_semaphore, #tpu.memory_space<semaphore_mem>>)
      %dma_wait3A = tpu.memref_slice %arg15[%add3A_68] : memref<1024000xf32, #tpu.memory_space<vmem_shared>> -> memref<8000xf32, #tpu.memory_space<vmem_shared>>
      %dma_wait3A_155 = tpu.memref_slice %arg15[%add3A_68] : memref<1024000xf32, #tpu.memory_space<vmem_shared>> -> memref<8000xf32, #tpu.memory_space<vmem_shared>>
      tpu.wait_dma2 semaphore(%run_scoped3A : memref<!tpu.dma_semaphore, #tpu.memory_space<semaphore_mem>>) src(%arg12 : memref<8000xf32, #tpu.memory_space<vmem>>) dst(%dma_wait3A_155 : memref<8000xf32, #tpu.memory_space<vmem_shared>>)
      tpu.yield
    }) : () -> ()
    %add3A_69 = arith.constant 48000 : i32
    %add3A_70 = arith.addi %mul3A_2, %add3A_69 : i32
    "tpu.region"() ({
      %run_scoped3A = tpu.sem_alloc : memref<!tpu.dma_semaphore, #tpu.memory_space<semaphore_mem>>
      %dma_start3A = tpu.memref_slice %arg15[%add3A_70] : memref<1024000xf32, #tpu.memory_space<vmem_shared>> -> memref<8000xf32, #tpu.memory_space<vmem_shared>>
      %dma_start3A_154 = tpu.memref_slice %arg15[%add3A_70] : memref<1024000xf32, #tpu.memory_space<vmem_shared>> -> memref<8000xf32, #tpu.memory_space<vmem_shared>>
      tpu.enqueue_dma source(%arg12 : memref<8000xf32, #tpu.memory_space<vmem>>) target(%dma_start3A_154 : memref<8000xf32, #tpu.memory_space<vmem_shared>>) target_semaphore(%run_scoped3A : memref<!tpu.dma_semaphore, #tpu.memory_space<semaphore_mem>>)
      %dma_wait3A = tpu.memref_slice %arg15[%add3A_70] : memref<1024000xf32, #tpu.memory_space<vmem_shared>> -> memref<8000xf32, #tpu.memory_space<vmem_shared>>
      %dma_wait3A_155 = tpu.memref_slice %arg15[%add3A_70] : memref<1024000xf32, #tpu.memory_space<vmem_shared>> -> memref<8000xf32, #tpu.memory_space<vmem_shared>>
      tpu.wait_dma2 semaphore(%run_scoped3A : memref<!tpu.dma_semaphore, #tpu.memory_space<semaphore_mem>>) src(%arg12 : memref<8000xf32, #tpu.memory_space<vmem>>) dst(%dma_wait3A_155 : memref<8000xf32, #tpu.memory_space<vmem_shared>>)
      tpu.yield
    }) : () -> ()
    %add3A_71 = arith.constant 56000 : i32
    %add3A_72 = arith.addi %mul3A_2, %add3A_71 : i32
    "tpu.region"() ({
      %run_scoped3A = tpu.sem_alloc : memref<!tpu.dma_semaphore, #tpu.memory_space<semaphore_mem>>
      %dma_start3A = tpu.memref_slice %arg15[%add3A_72] : memref<1024000xf32, #tpu.memory_space<vmem_shared>> -> memref<8000xf32, #tpu.memory_space<vmem_shared>>
      %dma_start3A_154 = tpu.memref_slice %arg15[%add3A_72] : memref<1024000xf32, #tpu.memory_space<vmem_shared>> -> memref<8000xf32, #tpu.memory_space<vmem_shared>>
      tpu.enqueue_dma source(%arg12 : memref<8000xf32, #tpu.memory_space<vmem>>) target(%dma_start3A_154 : memref<8000xf32, #tpu.memory_space<vmem_shared>>) target_semaphore(%run_scoped3A : memref<!tpu.dma_semaphore, #tpu.memory_space<semaphore_mem>>)
      %dma_wait3A = tpu.memref_slice %arg15[%add3A_72] : memref<1024000xf32, #tpu.memory_space<vmem_shared>> -> memref<8000xf32, #tpu.memory_space<vmem_shared>>
      %dma_wait3A_155 = tpu.memref_slice %arg15[%add3A_72] : memref<1024000xf32, #tpu.memory_space<vmem_shared>> -> memref<8000xf32, #tpu.memory_space<vmem_shared>>
      tpu.wait_dma2 semaphore(%run_scoped3A : memref<!tpu.dma_semaphore, #tpu.memory_space<semaphore_mem>>) src(%arg12 : memref<8000xf32, #tpu.memory_space<vmem>>) dst(%dma_wait3A_155 : memref<8000xf32, #tpu.memory_space<vmem_shared>>)
      tpu.yield
    }) : () -> ()
    %barrier3A = arith.constant 0 : index
    tpu.barrier barrier_id(%barrier3A)
    %mul3A_73 = arith.constant 2500 : i32
    %mul3A_74 = arith.muli %arg1, %mul3A_73 : i32
    %jit3A = arith.constant 16 : i32
    %div3A = arith.divsi %mul3A_74, %jit3A : i32
    %sign3A = arith.constant 0 : i32
    %sign3A_75 = arith.cmpi sgt, %mul3A_74, %sign3A : i32
    %sign3A_76 = arith.extui %sign3A_75 : i1 to i32
    %sign3A_77 = arith.constant 0 : i32
    %sign3A_78 = arith.cmpi slt, %mul3A_74, %sign3A_77 : i32
    %sign3A_79 = arith.extui %sign3A_78 : i1 to i32
    %sign3A_80 = arith.subi %sign3A_76, %sign3A_79 : i32
    %sign3A_81 = arith.constant 0 : i32
    %sign3A_82 = arith.cmpi sgt, %jit3A, %sign3A_81 : i32
    %sign3A_83 = arith.extui %sign3A_82 : i1 to i32
    %sign3A_84 = arith.constant 0 : i32
    %sign3A_85 = arith.cmpi slt, %jit3A, %sign3A_84 : i32
    %sign3A_86 = arith.extui %sign3A_85 : i1 to i32
    %sign3A_87 = arith.subi %sign3A_83, %sign3A_86 : i32
    %ne3A = arith.cmpi ne, %sign3A_80, %sign3A_87 : i32
    %rem3A = arith.remsi %mul3A_74, %jit3A : i32
    %ne3A_88 = arith.constant 0 : i32
    %ne3A_89 = arith.cmpi ne, %rem3A, %ne3A_88 : i32
    %and3A = arith.andi %ne3A, %ne3A_89 : i1
    %sub3A = arith.constant 1 : i32
    %sub3A_90 = arith.subi %div3A, %sub3A : i32
    %select_n3A = arith.select %and3A, %sub3A_90, %div3A : i32
    %add3A_91 = arith.constant 1 : i32
    %add3A_92 = arith.addi %arg1, %add3A_91 : i32
    %mul3A_93 = arith.constant 2500 : i32
    %mul3A_94 = arith.muli %add3A_92, %mul3A_93 : i32
    %jit3A_95 = arith.constant 16 : i32
    %div3A_96 = arith.divsi %mul3A_94, %jit3A_95 : i32
    %sign3A_97 = arith.constant 0 : i32
    %sign3A_98 = arith.cmpi sgt, %mul3A_94, %sign3A_97 : i32
    %sign3A_99 = arith.extui %sign3A_98 : i1 to i32
    %sign3A_100 = arith.constant 0 : i32
    %sign3A_101 = arith.cmpi slt, %mul3A_94, %sign3A_100 : i32
    %sign3A_102 = arith.extui %sign3A_101 : i1 to i32
    %sign3A_103 = arith.subi %sign3A_99, %sign3A_102 : i32
    %sign3A_104 = arith.constant 0 : i32
    %sign3A_105 = arith.cmpi sgt, %jit3A_95, %sign3A_104 : i32
    %sign3A_106 = arith.extui %sign3A_105 : i1 to i32
    %sign3A_107 = arith.constant 0 : i32
    %sign3A_108 = arith.cmpi slt, %jit3A_95, %sign3A_107 : i32
    %sign3A_109 = arith.extui %sign3A_108 : i1 to i32
    %sign3A_110 = arith.subi %sign3A_106, %sign3A_109 : i32
    %ne3A_111 = arith.cmpi ne, %sign3A_103, %sign3A_110 : i32
    %rem3A_112 = arith.remsi %mul3A_94, %jit3A_95 : i32
    %ne3A_113 = arith.constant 0 : i32
    %ne3A_114 = arith.cmpi ne, %rem3A_112, %ne3A_113 : i32
    %and3A_115 = arith.andi %ne3A_111, %ne3A_114 : i1
    %sub3A_116 = arith.constant 1 : i32
    %sub3A_117 = arith.subi %div3A_96, %sub3A_116 : i32
    %select_n3A_118 = arith.select %and3A_115, %sub3A_117, %div3A_96 : i32
    %while3A = arith.constant 0 : i32
    %while3A_119 = arith.subi %select_n3A_118, %select_n3A : i32
    %while3A_120 = arith.addi %select_n3A, %while3A_119 : i32
    %while3A_121 = arith.constant 1 : i32
    %while3A_122 = arith.divsi %while3A_119, %while3A_121 : i32
    %while3A_123 = arith.muli %while3A_122, %while3A_121 : i32
    %while3A_124 = arith.addi %select_n3A, %while3A_123 : i32
    %while3A_125 = arith.constant 1 : i32
    scf.for %while3A_154 = %select_n3A to %while3A_124 step %while3A_125  : i32 {
      %mul3A_155 = arith.constant 128 : i32
      %mul3A_156 = arith.muli %while3A_154, %mul3A_155 : i32
      %multiple_of3A = tpu.assume_multiple %mul3A_156, 128 : i32
      %dma_start3A = tpu.memref_slice %arg3[%multiple_of3A] : memref<320000xi32, #tpu.memory_space<hbm>> -> memref<128xi32, #tpu.memory_space<hbm>>
      %dma_start3A_157 = tpu.memref_slice %arg3[%multiple_of3A] : memref<320000xi32, #tpu.memory_space<hbm>> -> memref<128xi32, #tpu.memory_space<hbm>>
      tpu.enqueue_dma source(%dma_start3A_157 : memref<128xi32, #tpu.memory_space<hbm>>) target(%arg8 : memref<128xi32, #tpu.memory_space<vmem>>) target_semaphore(%arg16 : memref<!tpu.dma_semaphore, #tpu.memory_space<semaphore_mem>>)
      %dma_start3A_158 = tpu.memref_slice %arg4[%multiple_of3A] : memref<320000xi32, #tpu.memory_space<hbm>> -> memref<128xi32, #tpu.memory_space<hbm>>
      %dma_start3A_159 = tpu.memref_slice %arg4[%multiple_of3A] : memref<320000xi32, #tpu.memory_space<hbm>> -> memref<128xi32, #tpu.memory_space<hbm>>
      tpu.enqueue_dma source(%dma_start3A_159 : memref<128xi32, #tpu.memory_space<hbm>>) target(%arg9 : memref<128xi32, #tpu.memory_space<vmem>>) target_semaphore(%arg16 : memref<!tpu.dma_semaphore, #tpu.memory_space<semaphore_mem>>)
      %dma_start3A_160 = tpu.memref_slice %arg5[%arg0, %multiple_of3A] : memref<2x320000xi32, #tpu.memory_space<hbm>> -> memref<1x128xi32, #tpu.memory_space<hbm>>
      %dma_start3A_161 = tpu.memref_squeeze %dma_start3A_160 : memref<1x128xi32, #tpu.memory_space<hbm>> -> memref<128xi32, #tpu.memory_space<hbm>>
      %dma_start3A_162 = tpu.memref_slice %arg5[%arg0, %multiple_of3A] : memref<2x320000xi32, #tpu.memory_space<hbm>> -> memref<1x128xi32, #tpu.memory_space<hbm>>
      %dma_start3A_163 = tpu.memref_squeeze %dma_start3A_162 : memref<1x128xi32, #tpu.memory_space<hbm>> -> memref<128xi32, #tpu.memory_space<hbm>>
      tpu.enqueue_dma source(%dma_start3A_163 : memref<128xi32, #tpu.memory_space<hbm>>) target(%arg10 : memref<128xi32, #tpu.memory_space<vmem>>) target_semaphore(%arg16 : memref<!tpu.dma_semaphore, #tpu.memory_space<semaphore_mem>>)
      %dma_wait3A = tpu.memref_slice %arg3[%multiple_of3A] : memref<320000xi32, #tpu.memory_space<hbm>> -> memref<128xi32, #tpu.memory_space<hbm>>
      %dma_wait3A_164 = tpu.memref_slice %arg3[%multiple_of3A] : memref<320000xi32, #tpu.memory_space<hbm>> -> memref<128xi32, #tpu.memory_space<hbm>>
      tpu.wait_dma2 semaphore(%arg16 : memref<!tpu.dma_semaphore, #tpu.memory_space<semaphore_mem>>) src(%dma_wait3A_164 : memref<128xi32, #tpu.memory_space<hbm>>) dst(%arg8 : memref<128xi32, #tpu.memory_space<vmem>>)
      %dma_wait3A_165 = tpu.memref_slice %arg4[%multiple_of3A] : memref<320000xi32, #tpu.memory_space<hbm>> -> memref<128xi32, #tpu.memory_space<hbm>>
      %dma_wait3A_166 = tpu.memref_slice %arg4[%multiple_of3A] : memref<320000xi32, #tpu.memory_space<hbm>> -> memref<128xi32, #tpu.memory_space<hbm>>
      tpu.wait_dma2 semaphore(%arg16 : memref<!tpu.dma_semaphore, #tpu.memory_space<semaphore_mem>>) src(%dma_wait3A_166 : memref<128xi32, #tpu.memory_space<hbm>>) dst(%arg9 : memref<128xi32, #tpu.memory_space<vmem>>)
      %dma_wait3A_167 = tpu.memref_slice %arg5[%arg0, %multiple_of3A] : memref<2x320000xi32, #tpu.memory_space<hbm>> -> memref<1x128xi32, #tpu.memory_space<hbm>>
      %dma_wait3A_168 = tpu.memref_squeeze %dma_wait3A_167 : memref<1x128xi32, #tpu.memory_space<hbm>> -> memref<128xi32, #tpu.memory_space<hbm>>
      %dma_wait3A_169 = tpu.memref_slice %arg5[%arg0, %multiple_of3A] : memref<2x320000xi32, #tpu.memory_space<hbm>> -> memref<1x128xi32, #tpu.memory_space<hbm>>
      %dma_wait3A_170 = tpu.memref_squeeze %dma_wait3A_169 : memref<1x128xi32, #tpu.memory_space<hbm>> -> memref<128xi32, #tpu.memory_space<hbm>>
      tpu.wait_dma2 semaphore(%arg16 : memref<!tpu.dma_semaphore, #tpu.memory_space<semaphore_mem>>) src(%dma_wait3A_170 : memref<128xi32, #tpu.memory_space<hbm>>) dst(%arg10 : memref<128xi32, #tpu.memory_space<vmem>>)
      %dma_start3A_171 = arith.constant 0 : i32
      %dma_start3A_172 = arith.constant 0 : i32
      %dma_start3A_173 = tpu.memref_slice %arg2[%arg0, %dma_start3A_171, %dma_start3A_172] : memref<2x20000x64xf32, #tpu.memory_space<hbm>> -> memref<1x20000x64xf32, #tpu.memory_space<hbm>>
      %dma_start3A_174 = tpu.memref_squeeze %dma_start3A_173 : memref<1x20000x64xf32, #tpu.memory_space<hbm>> -> memref<20000x64xf32, #tpu.memory_space<hbm>>
      %dma_start3A_175 = arith.constant 0 : i32
      %dma_start3A_176 = arith.constant 0 : i32
      %dma_start3A_177 = tpu.memref_slice %dma_start3A_174[%dma_start3A_175, %dma_start3A_176] : memref<20000x64xf32, #tpu.memory_space<hbm>> -> memref<20000x64xf32, #tpu.memory_space<hbm>>
      tpu.enqueue_indirect_dma source(%dma_start3A_177 : memref<20000x64xf32, #tpu.memory_space<hbm>>) target(%arg11 : memref<128x64xf32, #tpu.memory_space<vmem>>) offsets(%arg8 : memref<128xi32, #tpu.memory_space<vmem>>) semaphore(%arg17 : memref<!tpu.dma_semaphore, #tpu.memory_space<semaphore_mem>>)
      %dma_wait3A_178 = arith.constant 0 : i32
      %dma_wait3A_179 = arith.constant 0 : i32
      %dma_wait3A_180 = tpu.memref_slice %arg2[%arg0, %dma_wait3A_178, %dma_wait3A_179] : memref<2x20000x64xf32, #tpu.memory_space<hbm>> -> memref<1x20000x64xf32, #tpu.memory_space<hbm>>
      %dma_wait3A_181 = tpu.memref_squeeze %dma_wait3A_180 : memref<1x20000x64xf32, #tpu.memory_space<hbm>> -> memref<20000x64xf32, #tpu.memory_space<hbm>>
      %dma_wait3A_182 = arith.constant 0 : i32
      %dma_wait3A_183 = arith.constant 0 : i32
      %dma_wait3A_184 = tpu.memref_slice %dma_wait3A_181[%dma_wait3A_182, %dma_wait3A_183] : memref<20000x64xf32, #tpu.memory_space<hbm>> -> memref<20000x64xf32, #tpu.memory_space<hbm>>
      tpu.wait_indirect_dma semaphore(%arg17 : memref<!tpu.dma_semaphore, #tpu.memory_space<semaphore_mem>>) src(%dma_wait3A_184 : memref<20000x64xf32, #tpu.memory_space<hbm>>) dst(%arg11 : memref<128x64xf32, #tpu.memory_space<vmem>>)
      "tpu.region"() ({
        %run_scoped3A = tpu.sem_alloc : memref<!tpu.dma_semaphore, #tpu.memory_space<semaphore_mem>>
        %dma_start3A_185 = arith.constant 0 : i32
        %dma_start3A_186 = arith.constant 0 : i32
        %dma_start3A_187 = tpu.memref_slice %arg14[%dma_start3A_185, %dma_start3A_186] : memref<10240x64xf32, #tpu.memory_space<vmem_shared>> -> memref<10240x64xf32, #tpu.memory_space<vmem_shared>>
        tpu.enqueue_indirect_dma source(%arg11 : memref<128x64xf32, #tpu.memory_space<vmem>>) target(%dma_start3A_187 : memref<10240x64xf32, #tpu.memory_space<vmem_shared>>) offsets(%arg9 : memref<128xi32, #tpu.memory_space<vmem>>) semaphore(%run_scoped3A : memref<!tpu.dma_semaphore, #tpu.memory_space<semaphore_mem>>) {add = true}
        %dma_wait3A_188 = arith.constant 0 : i32
        %dma_wait3A_189 = arith.constant 0 : i32
        %dma_wait3A_190 = tpu.memref_slice %arg14[%dma_wait3A_188, %dma_wait3A_189] : memref<10240x64xf32, #tpu.memory_space<vmem_shared>> -> memref<10240x64xf32, #tpu.memory_space<vmem_shared>>
        tpu.wait_indirect_dma semaphore(%run_scoped3A : memref<!tpu.dma_semaphore, #tpu.memory_space<semaphore_mem>>) src(%arg11 : memref<128x64xf32, #tpu.memory_space<vmem>>) dst(%dma_wait3A_190 : memref<10240x64xf32, #tpu.memory_space<vmem_shared>>)
        tpu.yield
      }) : () -> ()
      "tpu.region"() ({
        %run_scoped3A = tpu.sem_alloc : memref<!tpu.dma_semaphore, #tpu.memory_space<semaphore_mem>>
        %dma_start3A_185 = arith.constant 0 : i32
        %dma_start3A_186 = tpu.memref_slice %arg15[%dma_start3A_185] : memref<1024000xf32, #tpu.memory_space<vmem_shared>> -> memref<1024000xf32, #tpu.memory_space<vmem_shared>>
        tpu.enqueue_indirect_dma source(%arg13 : memref<128xf32, #tpu.memory_space<vmem>>) target(%dma_start3A_186 : memref<1024000xf32, #tpu.memory_space<vmem_shared>>) offsets(%arg10 : memref<128xi32, #tpu.memory_space<vmem>>) semaphore(%run_scoped3A : memref<!tpu.dma_semaphore, #tpu.memory_space<semaphore_mem>>) {add = true}
        %dma_wait3A_187 = arith.constant 0 : i32
        %dma_wait3A_188 = tpu.memref_slice %arg15[%dma_wait3A_187] : memref<1024000xf32, #tpu.memory_space<vmem_shared>> -> memref<1024000xf32, #tpu.memory_space<vmem_shared>>
        tpu.wait_indirect_dma semaphore(%run_scoped3A : memref<!tpu.dma_semaphore, #tpu.memory_space<semaphore_mem>>) src(%arg13 : memref<128xf32, #tpu.memory_space<vmem>>) dst(%dma_wait3A_188 : memref<1024000xf32, #tpu.memory_space<vmem_shared>>)
        tpu.yield
      }) : () -> ()
    }
    %while3A_126 = arith.constant 1 : i32
    scf.for %while3A_154 = %while3A_124 to %while3A_120 step %while3A_126  : i32 {
      %mul3A_155 = arith.constant 128 : i32
      %mul3A_156 = arith.muli %while3A_154, %mul3A_155 : i32
      %multiple_of3A = tpu.assume_multiple %mul3A_156, 128 : i32
      %dma_start3A = tpu.memref_slice %arg3[%multiple_of3A] : memref<320000xi32, #tpu.memory_space<hbm>> -> memref<128xi32, #tpu.memory_space<hbm>>
      %dma_start3A_157 = tpu.memref_slice %arg3[%multiple_of3A] : memref<320000xi32, #tpu.memory_space<hbm>> -> memref<128xi32, #tpu.memory_space<hbm>>
      tpu.enqueue_dma source(%dma_start3A_157 : memref<128xi32, #tpu.memory_space<hbm>>) target(%arg8 : memref<128xi32, #tpu.memory_space<vmem>>) target_semaphore(%arg16 : memref<!tpu.dma_semaphore, #tpu.memory_space<semaphore_mem>>)
      %dma_start3A_158 = tpu.memref_slice %arg4[%multiple_of3A] : memref<320000xi32, #tpu.memory_space<hbm>> -> memref<128xi32, #tpu.memory_space<hbm>>
      %dma_start3A_159 = tpu.memref_slice %arg4[%multiple_of3A] : memref<320000xi32, #tpu.memory_space<hbm>> -> memref<128xi32, #tpu.memory_space<hbm>>
      tpu.enqueue_dma source(%dma_start3A_159 : memref<128xi32, #tpu.memory_space<hbm>>) target(%arg9 : memref<128xi32, #tpu.memory_space<vmem>>) target_semaphore(%arg16 : memref<!tpu.dma_semaphore, #tpu.memory_space<semaphore_mem>>)
      %dma_start3A_160 = tpu.memref_slice %arg5[%arg0, %multiple_of3A] : memref<2x320000xi32, #tpu.memory_space<hbm>> -> memref<1x128xi32, #tpu.memory_space<hbm>>
      %dma_start3A_161 = tpu.memref_squeeze %dma_start3A_160 : memref<1x128xi32, #tpu.memory_space<hbm>> -> memref<128xi32, #tpu.memory_space<hbm>>
      %dma_start3A_162 = tpu.memref_slice %arg5[%arg0, %multiple_of3A] : memref<2x320000xi32, #tpu.memory_space<hbm>> -> memref<1x128xi32, #tpu.memory_space<hbm>>
      %dma_start3A_163 = tpu.memref_squeeze %dma_start3A_162 : memref<1x128xi32, #tpu.memory_space<hbm>> -> memref<128xi32, #tpu.memory_space<hbm>>
      tpu.enqueue_dma source(%dma_start3A_163 : memref<128xi32, #tpu.memory_space<hbm>>) target(%arg10 : memref<128xi32, #tpu.memory_space<vmem>>) target_semaphore(%arg16 : memref<!tpu.dma_semaphore, #tpu.memory_space<semaphore_mem>>)
      %dma_wait3A = tpu.memref_slice %arg3[%multiple_of3A] : memref<320000xi32, #tpu.memory_space<hbm>> -> memref<128xi32, #tpu.memory_space<hbm>>
      %dma_wait3A_164 = tpu.memref_slice %arg3[%multiple_of3A] : memref<320000xi32, #tpu.memory_space<hbm>> -> memref<128xi32, #tpu.memory_space<hbm>>
      tpu.wait_dma2 semaphore(%arg16 : memref<!tpu.dma_semaphore, #tpu.memory_space<semaphore_mem>>) src(%dma_wait3A_164 : memref<128xi32, #tpu.memory_space<hbm>>) dst(%arg8 : memref<128xi32, #tpu.memory_space<vmem>>)
      %dma_wait3A_165 = tpu.memref_slice %arg4[%multiple_of3A] : memref<320000xi32, #tpu.memory_space<hbm>> -> memref<128xi32, #tpu.memory_space<hbm>>
      %dma_wait3A_166 = tpu.memref_slice %arg4[%multiple_of3A] : memref<320000xi32, #tpu.memory_space<hbm>> -> memref<128xi32, #tpu.memory_space<hbm>>
      tpu.wait_dma2 semaphore(%arg16 : memref<!tpu.dma_semaphore, #tpu.memory_space<semaphore_mem>>) src(%dma_wait3A_166 : memref<128xi32, #tpu.memory_space<hbm>>) dst(%arg9 : memref<128xi32, #tpu.memory_space<vmem>>)
      %dma_wait3A_167 = tpu.memref_slice %arg5[%arg0, %multiple_of3A] : memref<2x320000xi32, #tpu.memory_space<hbm>> -> memref<1x128xi32, #tpu.memory_space<hbm>>
      %dma_wait3A_168 = tpu.memref_squeeze %dma_wait3A_167 : memref<1x128xi32, #tpu.memory_space<hbm>> -> memref<128xi32, #tpu.memory_space<hbm>>
      %dma_wait3A_169 = tpu.memref_slice %arg5[%arg0, %multiple_of3A] : memref<2x320000xi32, #tpu.memory_space<hbm>> -> memref<1x128xi32, #tpu.memory_space<hbm>>
      %dma_wait3A_170 = tpu.memref_squeeze %dma_wait3A_169 : memref<1x128xi32, #tpu.memory_space<hbm>> -> memref<128xi32, #tpu.memory_space<hbm>>
      tpu.wait_dma2 semaphore(%arg16 : memref<!tpu.dma_semaphore, #tpu.memory_space<semaphore_mem>>) src(%dma_wait3A_170 : memref<128xi32, #tpu.memory_space<hbm>>) dst(%arg10 : memref<128xi32, #tpu.memory_space<vmem>>)
      %dma_start3A_171 = arith.constant 0 : i32
      %dma_start3A_172 = arith.constant 0 : i32
      %dma_start3A_173 = tpu.memref_slice %arg2[%arg0, %dma_start3A_171, %dma_start3A_172] : memref<2x20000x64xf32, #tpu.memory_space<hbm>> -> memref<1x20000x64xf32, #tpu.memory_space<hbm>>
      %dma_start3A_174 = tpu.memref_squeeze %dma_start3A_173 : memref<1x20000x64xf32, #tpu.memory_space<hbm>> -> memref<20000x64xf32, #tpu.memory_space<hbm>>
      %dma_start3A_175 = arith.constant 0 : i32
      %dma_start3A_176 = arith.constant 0 : i32
      %dma_start3A_177 = tpu.memref_slice %dma_start3A_174[%dma_start3A_175, %dma_start3A_176] : memref<20000x64xf32, #tpu.memory_space<hbm>> -> memref<20000x64xf32, #tpu.memory_space<hbm>>
      tpu.enqueue_indirect_dma source(%dma_start3A_177 : memref<20000x64xf32, #tpu.memory_space<hbm>>) target(%arg11 : memref<128x64xf32, #tpu.memory_space<vmem>>) offsets(%arg8 : memref<128xi32, #tpu.memory_space<vmem>>) semaphore(%arg17 : memref<!tpu.dma_semaphore, #tpu.memory_space<semaphore_mem>>)
      %dma_wait3A_178 = arith.constant 0 : i32
      %dma_wait3A_179 = arith.constant 0 : i32
      %dma_wait3A_180 = tpu.memref_slice %arg2[%arg0, %dma_wait3A_178, %dma_wait3A_179] : memref<2x20000x64xf32, #tpu.memory_space<hbm>> -> memref<1x20000x64xf32, #tpu.memory_space<hbm>>
      %dma_wait3A_181 = tpu.memref_squeeze %dma_wait3A_180 : memref<1x20000x64xf32, #tpu.memory_space<hbm>> -> memref<20000x64xf32, #tpu.memory_space<hbm>>
      %dma_wait3A_182 = arith.constant 0 : i32
      %dma_wait3A_183 = arith.constant 0 : i32
      %dma_wait3A_184 = tpu.memref_slice %dma_wait3A_181[%dma_wait3A_182, %dma_wait3A_183] : memref<20000x64xf32, #tpu.memory_space<hbm>> -> memref<20000x64xf32, #tpu.memory_space<hbm>>
      tpu.wait_indirect_dma semaphore(%arg17 : memref<!tpu.dma_semaphore, #tpu.memory_space<semaphore_mem>>) src(%dma_wait3A_184 : memref<20000x64xf32, #tpu.memory_space<hbm>>) dst(%arg11 : memref<128x64xf32, #tpu.memory_space<vmem>>)
      "tpu.region"() ({
        %run_scoped3A = tpu.sem_alloc : memref<!tpu.dma_semaphore, #tpu.memory_space<semaphore_mem>>
        %dma_start3A_185 = arith.constant 0 : i32
        %dma_start3A_186 = arith.constant 0 : i32
        %dma_start3A_187 = tpu.memref_slice %arg14[%dma_start3A_185, %dma_start3A_186] : memref<10240x64xf32, #tpu.memory_space<vmem_shared>> -> memref<10240x64xf32, #tpu.memory_space<vmem_shared>>
        tpu.enqueue_indirect_dma source(%arg11 : memref<128x64xf32, #tpu.memory_space<vmem>>) target(%dma_start3A_187 : memref<10240x64xf32, #tpu.memory_space<vmem_shared>>) offsets(%arg9 : memref<128xi32, #tpu.memory_space<vmem>>) semaphore(%run_scoped3A : memref<!tpu.dma_semaphore, #tpu.memory_space<semaphore_mem>>) {add = true}
        %dma_wait3A_188 = arith.constant 0 : i32
        %dma_wait3A_189 = arith.constant 0 : i32
        %dma_wait3A_190 = tpu.memref_slice %arg14[%dma_wait3A_188, %dma_wait3A_189] : memref<10240x64xf32, #tpu.memory_space<vmem_shared>> -> memref<10240x64xf32, #tpu.memory_space<vmem_shared>>
        tpu.wait_indirect_dma semaphore(%run_scoped3A : memref<!tpu.dma_semaphore, #tpu.memory_space<semaphore_mem>>) src(%arg11 : memref<128x64xf32, #tpu.memory_space<vmem>>) dst(%dma_wait3A_190 : memref<10240x64xf32, #tpu.memory_space<vmem_shared>>)
        tpu.yield
      }) : () -> ()
      "tpu.region"() ({
        %run_scoped3A = tpu.sem_alloc : memref<!tpu.dma_semaphore, #tpu.memory_space<semaphore_mem>>
        %dma_start3A_185 = arith.constant 0 : i32
        %dma_start3A_186 = tpu.memref_slice %arg15[%dma_start3A_185] : memref<1024000xf32, #tpu.memory_space<vmem_shared>> -> memref<1024000xf32, #tpu.memory_space<vmem_shared>>
        tpu.enqueue_indirect_dma source(%arg13 : memref<128xf32, #tpu.memory_space<vmem>>) target(%dma_start3A_186 : memref<1024000xf32, #tpu.memory_space<vmem_shared>>) offsets(%arg10 : memref<128xi32, #tpu.memory_space<vmem>>) semaphore(%run_scoped3A : memref<!tpu.dma_semaphore, #tpu.memory_space<semaphore_mem>>) {add = true}
        %dma_wait3A_187 = arith.constant 0 : i32
        %dma_wait3A_188 = tpu.memref_slice %arg15[%dma_wait3A_187] : memref<1024000xf32, #tpu.memory_space<vmem_shared>> -> memref<1024000xf32, #tpu.memory_space<vmem_shared>>
        tpu.wait_indirect_dma semaphore(%run_scoped3A : memref<!tpu.dma_semaphore, #tpu.memory_space<semaphore_mem>>) src(%arg13 : memref<128xf32, #tpu.memory_space<vmem>>) dst(%dma_wait3A_188 : memref<1024000xf32, #tpu.memory_space<vmem_shared>>)
        tpu.yield
      }) : () -> ()
    }
    %barrier3A_127 = arith.constant 0 : index
    tpu.barrier barrier_id(%barrier3A_127)
    %add3A_128 = arith.constant 0 : i32
    %add3A_129 = arith.addi %mul3A_0, %add3A_128 : i32
    "tpu.region"() ({
      %run_scoped3A = tpu.sem_alloc : memref<!tpu.dma_semaphore, #tpu.memory_space<semaphore_mem>>
      %dma_start3A = arith.constant 0 : i32
      %dma_start3A_154 = tpu.memref_slice %arg14[%add3A_129, %dma_start3A] : memref<10240x64xf32, #tpu.memory_space<vmem_shared>> -> memref<128x64xf32, #tpu.memory_space<vmem_shared>>
      %dma_start3A_155 = arith.constant 0 : i32
      %dma_start3A_156 = tpu.memref_slice %arg14[%add3A_129, %dma_start3A_155] : memref<10240x64xf32, #tpu.memory_space<vmem_shared>> -> memref<128x64xf32, #tpu.memory_space<vmem_shared>>
      tpu.enqueue_dma source(%dma_start3A_156 : memref<128x64xf32, #tpu.memory_space<vmem_shared>>) target(%arg11 : memref<128x64xf32, #tpu.memory_space<vmem>>) target_semaphore(%run_scoped3A : memref<!tpu.dma_semaphore, #tpu.memory_space<semaphore_mem>>)
      %dma_wait3A = arith.constant 0 : i32
      %dma_wait3A_157 = tpu.memref_slice %arg14[%add3A_129, %dma_wait3A] : memref<10240x64xf32, #tpu.memory_space<vmem_shared>> -> memref<128x64xf32, #tpu.memory_space<vmem_shared>>
      %dma_wait3A_158 = arith.constant 0 : i32
      %dma_wait3A_159 = tpu.memref_slice %arg14[%add3A_129, %dma_wait3A_158] : memref<10240x64xf32, #tpu.memory_space<vmem_shared>> -> memref<128x64xf32, #tpu.memory_space<vmem_shared>>
      tpu.wait_dma2 semaphore(%run_scoped3A : memref<!tpu.dma_semaphore, #tpu.memory_space<semaphore_mem>>) src(%dma_wait3A_159 : memref<128x64xf32, #tpu.memory_space<vmem_shared>>) dst(%arg11 : memref<128x64xf32, #tpu.memory_space<vmem>>)
      tpu.yield
    }) : () -> ()
    "tpu.region"() ({
      %run_scoped3A = tpu.sem_alloc : memref<!tpu.dma_semaphore, #tpu.memory_space<semaphore_mem>>
      %dma_start3A = arith.constant 0 : i32
      %dma_start3A_154 = tpu.memref_slice %arg6[%arg0, %add3A_129, %dma_start3A] : memref<2x10240x64xf32, #tpu.memory_space<hbm>> -> memref<1x128x64xf32, #tpu.memory_space<hbm>>
      %dma_start3A_155 = tpu.memref_squeeze %dma_start3A_154 : memref<1x128x64xf32, #tpu.memory_space<hbm>> -> memref<128x64xf32, #tpu.memory_space<hbm>>
      %dma_start3A_156 = arith.constant 0 : i32
      %dma_start3A_157 = tpu.memref_slice %arg6[%arg0, %add3A_129, %dma_start3A_156] : memref<2x10240x64xf32, #tpu.memory_space<hbm>> -> memref<1x128x64xf32, #tpu.memory_space<hbm>>
      %dma_start3A_158 = tpu.memref_squeeze %dma_start3A_157 : memref<1x128x64xf32, #tpu.memory_space<hbm>> -> memref<128x64xf32, #tpu.memory_space<hbm>>
      tpu.enqueue_dma source(%arg11 : memref<128x64xf32, #tpu.memory_space<vmem>>) target(%dma_start3A_158 : memref<128x64xf32, #tpu.memory_space<hbm>>) target_semaphore(%run_scoped3A : memref<!tpu.dma_semaphore, #tpu.memory_space<semaphore_mem>>)
      %dma_wait3A = arith.constant 0 : i32
      %dma_wait3A_159 = tpu.memref_slice %arg6[%arg0, %add3A_129, %dma_wait3A] : memref<2x10240x64xf32, #tpu.memory_space<hbm>> -> memref<1x128x64xf32, #tpu.memory_space<hbm>>
      %dma_wait3A_160 = tpu.memref_squeeze %dma_wait3A_159 : memref<1x128x64xf32, #tpu.memory_space<hbm>> -> memref<128x64xf32, #tpu.memory_space<hbm>>
      %dma_wait3A_161 = arith.constant 0 : i32
      %dma_wait3A_162 = tpu.memref_slice %arg6[%arg0, %add3A_129, %dma_wait3A_161] : memref<2x10240x64xf32, #tpu.memory_space<hbm>> -> memref<1x128x64xf32, #tpu.memory_space<hbm>>
      %dma_wait3A_163 = tpu.memref_squeeze %dma_wait3A_162 : memref<1x128x64xf32, #tpu.memory_space<hbm>> -> memref<128x64xf32, #tpu.memory_space<hbm>>
      tpu.wait_dma2 semaphore(%run_scoped3A : memref<!tpu.dma_semaphore, #tpu.memory_space<semaphore_mem>>) src(%arg11 : memref<128x64xf32, #tpu.memory_space<vmem>>) dst(%dma_wait3A_163 : memref<128x64xf32, #tpu.memory_space<hbm>>)
      tpu.yield
    }) : () -> ()
    %add3A_130 = arith.constant 128 : i32
    %add3A_131 = arith.addi %mul3A_0, %add3A_130 : i32
    "tpu.region"() ({
      %run_scoped3A = tpu.sem_alloc : memref<!tpu.dma_semaphore, #tpu.memory_space<semaphore_mem>>
      %dma_start3A = arith.constant 0 : i32
      %dma_start3A_154 = tpu.memref_slice %arg14[%add3A_131, %dma_start3A] : memref<10240x64xf32, #tpu.memory_space<vmem_shared>> -> memref<128x64xf32, #tpu.memory_space<vmem_shared>>
      %dma_start3A_155 = arith.constant 0 : i32
      %dma_start3A_156 = tpu.memref_slice %arg14[%add3A_131, %dma_start3A_155] : memref<10240x64xf32, #tpu.memory_space<vmem_shared>> -> memref<128x64xf32, #tpu.memory_space<vmem_shared>>
      tpu.enqueue_dma source(%dma_start3A_156 : memref<128x64xf32, #tpu.memory_space<vmem_shared>>) target(%arg11 : memref<128x64xf32, #tpu.memory_space<vmem>>) target_semaphore(%run_scoped3A : memref<!tpu.dma_semaphore, #tpu.memory_space<semaphore_mem>>)
      %dma_wait3A = arith.constant 0 : i32
      %dma_wait3A_157 = tpu.memref_slice %arg14[%add3A_131, %dma_wait3A] : memref<10240x64xf32, #tpu.memory_space<vmem_shared>> -> memref<128x64xf32, #tpu.memory_space<vmem_shared>>
      %dma_wait3A_158 = arith.constant 0 : i32
      %dma_wait3A_159 = tpu.memref_slice %arg14[%add3A_131, %dma_wait3A_158] : memref<10240x64xf32, #tpu.memory_space<vmem_shared>> -> memref<128x64xf32, #tpu.memory_space<vmem_shared>>
      tpu.wait_dma2 semaphore(%run_scoped3A : memref<!tpu.dma_semaphore, #tpu.memory_space<semaphore_mem>>) src(%dma_wait3A_159 : memref<128x64xf32, #tpu.memory_space<vmem_shared>>) dst(%arg11 : memref<128x64xf32, #tpu.memory_space<vmem>>)
      tpu.yield
    }) : () -> ()
    "tpu.region"() ({
      %run_scoped3A = tpu.sem_alloc : memref<!tpu.dma_semaphore, #tpu.memory_space<semaphore_mem>>
      %dma_start3A = arith.constant 0 : i32
      %dma_start3A_154 = tpu.memref_slice %arg6[%arg0, %add3A_131, %dma_start3A] : memref<2x10240x64xf32, #tpu.memory_space<hbm>> -> memref<1x128x64xf32, #tpu.memory_space<hbm>>
      %dma_start3A_155 = tpu.memref_squeeze %dma_start3A_154 : memref<1x128x64xf32, #tpu.memory_space<hbm>> -> memref<128x64xf32, #tpu.memory_space<hbm>>
      %dma_start3A_156 = arith.constant 0 : i32
      %dma_start3A_157 = tpu.memref_slice %arg6[%arg0, %add3A_131, %dma_start3A_156] : memref<2x10240x64xf32, #tpu.memory_space<hbm>> -> memref<1x128x64xf32, #tpu.memory_space<hbm>>
      %dma_start3A_158 = tpu.memref_squeeze %dma_start3A_157 : memref<1x128x64xf32, #tpu.memory_space<hbm>> -> memref<128x64xf32, #tpu.memory_space<hbm>>
      tpu.enqueue_dma source(%arg11 : memref<128x64xf32, #tpu.memory_space<vmem>>) target(%dma_start3A_158 : memref<128x64xf32, #tpu.memory_space<hbm>>) target_semaphore(%run_scoped3A : memref<!tpu.dma_semaphore, #tpu.memory_space<semaphore_mem>>)
      %dma_wait3A = arith.constant 0 : i32
      %dma_wait3A_159 = tpu.memref_slice %arg6[%arg0, %add3A_131, %dma_wait3A] : memref<2x10240x64xf32, #tpu.memory_space<hbm>> -> memref<1x128x64xf32, #tpu.memory_space<hbm>>
      %dma_wait3A_160 = tpu.memref_squeeze %dma_wait3A_159 : memref<1x128x64xf32, #tpu.memory_space<hbm>> -> memref<128x64xf32, #tpu.memory_space<hbm>>
      %dma_wait3A_161 = arith.constant 0 : i32
      %dma_wait3A_162 = tpu.memref_slice %arg6[%arg0, %add3A_131, %dma_wait3A_161] : memref<2x10240x64xf32, #tpu.memory_space<hbm>> -> memref<1x128x64xf32, #tpu.memory_space<hbm>>
      %dma_wait3A_163 = tpu.memref_squeeze %dma_wait3A_162 : memref<1x128x64xf32, #tpu.memory_space<hbm>> -> memref<128x64xf32, #tpu.memory_space<hbm>>
      tpu.wait_dma2 semaphore(%run_scoped3A : memref<!tpu.dma_semaphore, #tpu.memory_space<semaphore_mem>>) src(%arg11 : memref<128x64xf32, #tpu.memory_space<vmem>>) dst(%dma_wait3A_163 : memref<128x64xf32, #tpu.memory_space<hbm>>)
      tpu.yield
    }) : () -> ()
    %add3A_132 = arith.constant 256 : i32
    %add3A_133 = arith.addi %mul3A_0, %add3A_132 : i32
    "tpu.region"() ({
      %run_scoped3A = tpu.sem_alloc : memref<!tpu.dma_semaphore, #tpu.memory_space<semaphore_mem>>
      %dma_start3A = arith.constant 0 : i32
      %dma_start3A_154 = tpu.memref_slice %arg14[%add3A_133, %dma_start3A] : memref<10240x64xf32, #tpu.memory_space<vmem_shared>> -> memref<128x64xf32, #tpu.memory_space<vmem_shared>>
      %dma_start3A_155 = arith.constant 0 : i32
      %dma_start3A_156 = tpu.memref_slice %arg14[%add3A_133, %dma_start3A_155] : memref<10240x64xf32, #tpu.memory_space<vmem_shared>> -> memref<128x64xf32, #tpu.memory_space<vmem_shared>>
      tpu.enqueue_dma source(%dma_start3A_156 : memref<128x64xf32, #tpu.memory_space<vmem_shared>>) target(%arg11 : memref<128x64xf32, #tpu.memory_space<vmem>>) target_semaphore(%run_scoped3A : memref<!tpu.dma_semaphore, #tpu.memory_space<semaphore_mem>>)
      %dma_wait3A = arith.constant 0 : i32
      %dma_wait3A_157 = tpu.memref_slice %arg14[%add3A_133, %dma_wait3A] : memref<10240x64xf32, #tpu.memory_space<vmem_shared>> -> memref<128x64xf32, #tpu.memory_space<vmem_shared>>
      %dma_wait3A_158 = arith.constant 0 : i32
      %dma_wait3A_159 = tpu.memref_slice %arg14[%add3A_133, %dma_wait3A_158] : memref<10240x64xf32, #tpu.memory_space<vmem_shared>> -> memref<128x64xf32, #tpu.memory_space<vmem_shared>>
      tpu.wait_dma2 semaphore(%run_scoped3A : memref<!tpu.dma_semaphore, #tpu.memory_space<semaphore_mem>>) src(%dma_wait3A_159 : memref<128x64xf32, #tpu.memory_space<vmem_shared>>) dst(%arg11 : memref<128x64xf32, #tpu.memory_space<vmem>>)
      tpu.yield
    }) : () -> ()
    "tpu.region"() ({
      %run_scoped3A = tpu.sem_alloc : memref<!tpu.dma_semaphore, #tpu.memory_space<semaphore_mem>>
      %dma_start3A = arith.constant 0 : i32
      %dma_start3A_154 = tpu.memref_slice %arg6[%arg0, %add3A_133, %dma_start3A] : memref<2x10240x64xf32, #tpu.memory_space<hbm>> -> memref<1x128x64xf32, #tpu.memory_space<hbm>>
      %dma_start3A_155 = tpu.memref_squeeze %dma_start3A_154 : memref<1x128x64xf32, #tpu.memory_space<hbm>> -> memref<128x64xf32, #tpu.memory_space<hbm>>
      %dma_start3A_156 = arith.constant 0 : i32
      %dma_start3A_157 = tpu.memref_slice %arg6[%arg0, %add3A_133, %dma_start3A_156] : memref<2x10240x64xf32, #tpu.memory_space<hbm>> -> memref<1x128x64xf32, #tpu.memory_space<hbm>>
      %dma_start3A_158 = tpu.memref_squeeze %dma_start3A_157 : memref<1x128x64xf32, #tpu.memory_space<hbm>> -> memref<128x64xf32, #tpu.memory_space<hbm>>
      tpu.enqueue_dma source(%arg11 : memref<128x64xf32, #tpu.memory_space<vmem>>) target(%dma_start3A_158 : memref<128x64xf32, #tpu.memory_space<hbm>>) target_semaphore(%run_scoped3A : memref<!tpu.dma_semaphore, #tpu.memory_space<semaphore_mem>>)
      %dma_wait3A = arith.constant 0 : i32
      %dma_wait3A_159 = tpu.memref_slice %arg6[%arg0, %add3A_133, %dma_wait3A] : memref<2x10240x64xf32, #tpu.memory_space<hbm>> -> memref<1x128x64xf32, #tpu.memory_space<hbm>>
      %dma_wait3A_160 = tpu.memref_squeeze %dma_wait3A_159 : memref<1x128x64xf32, #tpu.memory_space<hbm>> -> memref<128x64xf32, #tpu.memory_space<hbm>>
      %dma_wait3A_161 = arith.constant 0 : i32
      %dma_wait3A_162 = tpu.memref_slice %arg6[%arg0, %add3A_133, %dma_wait3A_161] : memref<2x10240x64xf32, #tpu.memory_space<hbm>> -> memref<1x128x64xf32, #tpu.memory_space<hbm>>
      %dma_wait3A_163 = tpu.memref_squeeze %dma_wait3A_162 : memref<1x128x64xf32, #tpu.memory_space<hbm>> -> memref<128x64xf32, #tpu.memory_space<hbm>>
      tpu.wait_dma2 semaphore(%run_scoped3A : memref<!tpu.dma_semaphore, #tpu.memory_space<semaphore_mem>>) src(%arg11 : memref<128x64xf32, #tpu.memory_space<vmem>>) dst(%dma_wait3A_163 : memref<128x64xf32, #tpu.memory_space<hbm>>)
      tpu.yield
    }) : () -> ()
    %add3A_134 = arith.constant 384 : i32
    %add3A_135 = arith.addi %mul3A_0, %add3A_134 : i32
    "tpu.region"() ({
      %run_scoped3A = tpu.sem_alloc : memref<!tpu.dma_semaphore, #tpu.memory_space<semaphore_mem>>
      %dma_start3A = arith.constant 0 : i32
      %dma_start3A_154 = tpu.memref_slice %arg14[%add3A_135, %dma_start3A] : memref<10240x64xf32, #tpu.memory_space<vmem_shared>> -> memref<128x64xf32, #tpu.memory_space<vmem_shared>>
      %dma_start3A_155 = arith.constant 0 : i32
      %dma_start3A_156 = tpu.memref_slice %arg14[%add3A_135, %dma_start3A_155] : memref<10240x64xf32, #tpu.memory_space<vmem_shared>> -> memref<128x64xf32, #tpu.memory_space<vmem_shared>>
      tpu.enqueue_dma source(%dma_start3A_156 : memref<128x64xf32, #tpu.memory_space<vmem_shared>>) target(%arg11 : memref<128x64xf32, #tpu.memory_space<vmem>>) target_semaphore(%run_scoped3A : memref<!tpu.dma_semaphore, #tpu.memory_space<semaphore_mem>>)
      %dma_wait3A = arith.constant 0 : i32
      %dma_wait3A_157 = tpu.memref_slice %arg14[%add3A_135, %dma_wait3A] : memref<10240x64xf32, #tpu.memory_space<vmem_shared>> -> memref<128x64xf32, #tpu.memory_space<vmem_shared>>
      %dma_wait3A_158 = arith.constant 0 : i32
      %dma_wait3A_159 = tpu.memref_slice %arg14[%add3A_135, %dma_wait3A_158] : memref<10240x64xf32, #tpu.memory_space<vmem_shared>> -> memref<128x64xf32, #tpu.memory_space<vmem_shared>>
      tpu.wait_dma2 semaphore(%run_scoped3A : memref<!tpu.dma_semaphore, #tpu.memory_space<semaphore_mem>>) src(%dma_wait3A_159 : memref<128x64xf32, #tpu.memory_space<vmem_shared>>) dst(%arg11 : memref<128x64xf32, #tpu.memory_space<vmem>>)
      tpu.yield
    }) : () -> ()
    "tpu.region"() ({
      %run_scoped3A = tpu.sem_alloc : memref<!tpu.dma_semaphore, #tpu.memory_space<semaphore_mem>>
      %dma_start3A = arith.constant 0 : i32
      %dma_start3A_154 = tpu.memref_slice %arg6[%arg0, %add3A_135, %dma_start3A] : memref<2x10240x64xf32, #tpu.memory_space<hbm>> -> memref<1x128x64xf32, #tpu.memory_space<hbm>>
      %dma_start3A_155 = tpu.memref_squeeze %dma_start3A_154 : memref<1x128x64xf32, #tpu.memory_space<hbm>> -> memref<128x64xf32, #tpu.memory_space<hbm>>
      %dma_start3A_156 = arith.constant 0 : i32
      %dma_start3A_157 = tpu.memref_slice %arg6[%arg0, %add3A_135, %dma_start3A_156] : memref<2x10240x64xf32, #tpu.memory_space<hbm>> -> memref<1x128x64xf32, #tpu.memory_space<hbm>>
      %dma_start3A_158 = tpu.memref_squeeze %dma_start3A_157 : memref<1x128x64xf32, #tpu.memory_space<hbm>> -> memref<128x64xf32, #tpu.memory_space<hbm>>
      tpu.enqueue_dma source(%arg11 : memref<128x64xf32, #tpu.memory_space<vmem>>) target(%dma_start3A_158 : memref<128x64xf32, #tpu.memory_space<hbm>>) target_semaphore(%run_scoped3A : memref<!tpu.dma_semaphore, #tpu.memory_space<semaphore_mem>>)
      %dma_wait3A = arith.constant 0 : i32
      %dma_wait3A_159 = tpu.memref_slice %arg6[%arg0, %add3A_135, %dma_wait3A] : memref<2x10240x64xf32, #tpu.memory_space<hbm>> -> memref<1x128x64xf32, #tpu.memory_space<hbm>>
      %dma_wait3A_160 = tpu.memref_squeeze %dma_wait3A_159 : memref<1x128x64xf32, #tpu.memory_space<hbm>> -> memref<128x64xf32, #tpu.memory_space<hbm>>
      %dma_wait3A_161 = arith.constant 0 : i32
      %dma_wait3A_162 = tpu.memref_slice %arg6[%arg0, %add3A_135, %dma_wait3A_161] : memref<2x10240x64xf32, #tpu.memory_space<hbm>> -> memref<1x128x64xf32, #tpu.memory_space<hbm>>
      %dma_wait3A_163 = tpu.memref_squeeze %dma_wait3A_162 : memref<1x128x64xf32, #tpu.memory_space<hbm>> -> memref<128x64xf32, #tpu.memory_space<hbm>>
      tpu.wait_dma2 semaphore(%run_scoped3A : memref<!tpu.dma_semaphore, #tpu.memory_space<semaphore_mem>>) src(%arg11 : memref<128x64xf32, #tpu.memory_space<vmem>>) dst(%dma_wait3A_163 : memref<128x64xf32, #tpu.memory_space<hbm>>)
      tpu.yield
    }) : () -> ()
    %add3A_136 = arith.constant 512 : i32
    %add3A_137 = arith.addi %mul3A_0, %add3A_136 : i32
    "tpu.region"() ({
      %run_scoped3A = tpu.sem_alloc : memref<!tpu.dma_semaphore, #tpu.memory_space<semaphore_mem>>
      %dma_start3A = arith.constant 0 : i32
      %dma_start3A_154 = tpu.memref_slice %arg14[%add3A_137, %dma_start3A] : memref<10240x64xf32, #tpu.memory_space<vmem_shared>> -> memref<128x64xf32, #tpu.memory_space<vmem_shared>>
      %dma_start3A_155 = arith.constant 0 : i32
      %dma_start3A_156 = tpu.memref_slice %arg14[%add3A_137, %dma_start3A_155] : memref<10240x64xf32, #tpu.memory_space<vmem_shared>> -> memref<128x64xf32, #tpu.memory_space<vmem_shared>>
      tpu.enqueue_dma source(%dma_start3A_156 : memref<128x64xf32, #tpu.memory_space<vmem_shared>>) target(%arg11 : memref<128x64xf32, #tpu.memory_space<vmem>>) target_semaphore(%run_scoped3A : memref<!tpu.dma_semaphore, #tpu.memory_space<semaphore_mem>>)
      %dma_wait3A = arith.constant 0 : i32
      %dma_wait3A_157 = tpu.memref_slice %arg14[%add3A_137, %dma_wait3A] : memref<10240x64xf32, #tpu.memory_space<vmem_shared>> -> memref<128x64xf32, #tpu.memory_space<vmem_shared>>
      %dma_wait3A_158 = arith.constant 0 : i32
      %dma_wait3A_159 = tpu.memref_slice %arg14[%add3A_137, %dma_wait3A_158] : memref<10240x64xf32, #tpu.memory_space<vmem_shared>> -> memref<128x64xf32, #tpu.memory_space<vmem_shared>>
      tpu.wait_dma2 semaphore(%run_scoped3A : memref<!tpu.dma_semaphore, #tpu.memory_space<semaphore_mem>>) src(%dma_wait3A_159 : memref<128x64xf32, #tpu.memory_space<vmem_shared>>) dst(%arg11 : memref<128x64xf32, #tpu.memory_space<vmem>>)
      tpu.yield
    }) : () -> ()
    "tpu.region"() ({
      %run_scoped3A = tpu.sem_alloc : memref<!tpu.dma_semaphore, #tpu.memory_space<semaphore_mem>>
      %dma_start3A = arith.constant 0 : i32
      %dma_start3A_154 = tpu.memref_slice %arg6[%arg0, %add3A_137, %dma_start3A] : memref<2x10240x64xf32, #tpu.memory_space<hbm>> -> memref<1x128x64xf32, #tpu.memory_space<hbm>>
      %dma_start3A_155 = tpu.memref_squeeze %dma_start3A_154 : memref<1x128x64xf32, #tpu.memory_space<hbm>> -> memref<128x64xf32, #tpu.memory_space<hbm>>
      %dma_start3A_156 = arith.constant 0 : i32
      %dma_start3A_157 = tpu.memref_slice %arg6[%arg0, %add3A_137, %dma_start3A_156] : memref<2x10240x64xf32, #tpu.memory_space<hbm>> -> memref<1x128x64xf32, #tpu.memory_space<hbm>>
      %dma_start3A_158 = tpu.memref_squeeze %dma_start3A_157 : memref<1x128x64xf32, #tpu.memory_space<hbm>> -> memref<128x64xf32, #tpu.memory_space<hbm>>
      tpu.enqueue_dma source(%arg11 : memref<128x64xf32, #tpu.memory_space<vmem>>) target(%dma_start3A_158 : memref<128x64xf32, #tpu.memory_space<hbm>>) target_semaphore(%run_scoped3A : memref<!tpu.dma_semaphore, #tpu.memory_space<semaphore_mem>>)
      %dma_wait3A = arith.constant 0 : i32
      %dma_wait3A_159 = tpu.memref_slice %arg6[%arg0, %add3A_137, %dma_wait3A] : memref<2x10240x64xf32, #tpu.memory_space<hbm>> -> memref<1x128x64xf32, #tpu.memory_space<hbm>>
      %dma_wait3A_160 = tpu.memref_squeeze %dma_wait3A_159 : memref<1x128x64xf32, #tpu.memory_space<hbm>> -> memref<128x64xf32, #tpu.memory_space<hbm>>
      %dma_wait3A_161 = arith.constant 0 : i32
      %dma_wait3A_162 = tpu.memref_slice %arg6[%arg0, %add3A_137, %dma_wait3A_161] : memref<2x10240x64xf32, #tpu.memory_space<hbm>> -> memref<1x128x64xf32, #tpu.memory_space<hbm>>
      %dma_wait3A_163 = tpu.memref_squeeze %dma_wait3A_162 : memref<1x128x64xf32, #tpu.memory_space<hbm>> -> memref<128x64xf32, #tpu.memory_space<hbm>>
      tpu.wait_dma2 semaphore(%run_scoped3A : memref<!tpu.dma_semaphore, #tpu.memory_space<semaphore_mem>>) src(%arg11 : memref<128x64xf32, #tpu.memory_space<vmem>>) dst(%dma_wait3A_163 : memref<128x64xf32, #tpu.memory_space<hbm>>)
      tpu.yield
    }) : () -> ()
    %add3A_138 = arith.constant 0 : i32
    %add3A_139 = arith.addi %mul3A_2, %add3A_138 : i32
    "tpu.region"() ({
      %run_scoped3A = tpu.sem_alloc : memref<!tpu.dma_semaphore, #tpu.memory_space<semaphore_mem>>
      %dma_start3A = tpu.memref_slice %arg15[%add3A_139] : memref<1024000xf32, #tpu.memory_space<vmem_shared>> -> memref<8000xf32, #tpu.memory_space<vmem_shared>>
      %dma_start3A_154 = tpu.memref_slice %arg15[%add3A_139] : memref<1024000xf32, #tpu.memory_space<vmem_shared>> -> memref<8000xf32, #tpu.memory_space<vmem_shared>>
      tpu.enqueue_dma source(%dma_start3A_154 : memref<8000xf32, #tpu.memory_space<vmem_shared>>) target(%arg12 : memref<8000xf32, #tpu.memory_space<vmem>>) target_semaphore(%run_scoped3A : memref<!tpu.dma_semaphore, #tpu.memory_space<semaphore_mem>>)
      %dma_wait3A = tpu.memref_slice %arg15[%add3A_139] : memref<1024000xf32, #tpu.memory_space<vmem_shared>> -> memref<8000xf32, #tpu.memory_space<vmem_shared>>
      %dma_wait3A_155 = tpu.memref_slice %arg15[%add3A_139] : memref<1024000xf32, #tpu.memory_space<vmem_shared>> -> memref<8000xf32, #tpu.memory_space<vmem_shared>>
      tpu.wait_dma2 semaphore(%run_scoped3A : memref<!tpu.dma_semaphore, #tpu.memory_space<semaphore_mem>>) src(%dma_wait3A_155 : memref<8000xf32, #tpu.memory_space<vmem_shared>>) dst(%arg12 : memref<8000xf32, #tpu.memory_space<vmem>>)
      tpu.yield
    }) : () -> ()
    "tpu.region"() ({
      %run_scoped3A = tpu.sem_alloc : memref<!tpu.dma_semaphore, #tpu.memory_space<semaphore_mem>>
      %dma_start3A = tpu.memref_slice %arg7[%arg0, %add3A_139] : memref<2x1024000xf32, #tpu.memory_space<hbm>> -> memref<1x8000xf32, #tpu.memory_space<hbm>>
      %dma_start3A_154 = tpu.memref_squeeze %dma_start3A : memref<1x8000xf32, #tpu.memory_space<hbm>> -> memref<8000xf32, #tpu.memory_space<hbm>>
      %dma_start3A_155 = tpu.memref_slice %arg7[%arg0, %add3A_139] : memref<2x1024000xf32, #tpu.memory_space<hbm>> -> memref<1x8000xf32, #tpu.memory_space<hbm>>
      %dma_start3A_156 = tpu.memref_squeeze %dma_start3A_155 : memref<1x8000xf32, #tpu.memory_space<hbm>> -> memref<8000xf32, #tpu.memory_space<hbm>>
      tpu.enqueue_dma source(%arg12 : memref<8000xf32, #tpu.memory_space<vmem>>) target(%dma_start3A_156 : memref<8000xf32, #tpu.memory_space<hbm>>) target_semaphore(%run_scoped3A : memref<!tpu.dma_semaphore, #tpu.memory_space<semaphore_mem>>)
      %dma_wait3A = tpu.memref_slice %arg7[%arg0, %add3A_139] : memref<2x1024000xf32, #tpu.memory_space<hbm>> -> memref<1x8000xf32, #tpu.memory_space<hbm>>
      %dma_wait3A_157 = tpu.memref_squeeze %dma_wait3A : memref<1x8000xf32, #tpu.memory_space<hbm>> -> memref<8000xf32, #tpu.memory_space<hbm>>
      %dma_wait3A_158 = tpu.memref_slice %arg7[%arg0, %add3A_139] : memref<2x1024000xf32, #tpu.memory_space<hbm>> -> memref<1x8000xf32, #tpu.memory_space<hbm>>
      %dma_wait3A_159 = tpu.memref_squeeze %dma_wait3A_158 : memref<1x8000xf32, #tpu.memory_space<hbm>> -> memref<8000xf32, #tpu.memory_space<hbm>>
      tpu.wait_dma2 semaphore(%run_scoped3A : memref<!tpu.dma_semaphore, #tpu.memory_space<semaphore_mem>>) src(%arg12 : memref<8000xf32, #tpu.memory_space<vmem>>) dst(%dma_wait3A_159 : memref<8000xf32, #tpu.memory_space<hbm>>)
      tpu.yield
    }) : () -> ()
    %add3A_140 = arith.constant 8000 : i32
    %add3A_141 = arith.addi %mul3A_2, %add3A_140 : i32
    "tpu.region"() ({
      %run_scoped3A = tpu.sem_alloc : memref<!tpu.dma_semaphore, #tpu.memory_space<semaphore_mem>>
      %dma_start3A = tpu.memref_slice %arg15[%add3A_141] : memref<1024000xf32, #tpu.memory_space<vmem_shared>> -> memref<8000xf32, #tpu.memory_space<vmem_shared>>
      %dma_start3A_154 = tpu.memref_slice %arg15[%add3A_141] : memref<1024000xf32, #tpu.memory_space<vmem_shared>> -> memref<8000xf32, #tpu.memory_space<vmem_shared>>
      tpu.enqueue_dma source(%dma_start3A_154 : memref<8000xf32, #tpu.memory_space<vmem_shared>>) target(%arg12 : memref<8000xf32, #tpu.memory_space<vmem>>) target_semaphore(%run_scoped3A : memref<!tpu.dma_semaphore, #tpu.memory_space<semaphore_mem>>)
      %dma_wait3A = tpu.memref_slice %arg15[%add3A_141] : memref<1024000xf32, #tpu.memory_space<vmem_shared>> -> memref<8000xf32, #tpu.memory_space<vmem_shared>>
      %dma_wait3A_155 = tpu.memref_slice %arg15[%add3A_141] : memref<1024000xf32, #tpu.memory_space<vmem_shared>> -> memref<8000xf32, #tpu.memory_space<vmem_shared>>
      tpu.wait_dma2 semaphore(%run_scoped3A : memref<!tpu.dma_semaphore, #tpu.memory_space<semaphore_mem>>) src(%dma_wait3A_155 : memref<8000xf32, #tpu.memory_space<vmem_shared>>) dst(%arg12 : memref<8000xf32, #tpu.memory_space<vmem>>)
      tpu.yield
    }) : () -> ()
    "tpu.region"() ({
      %run_scoped3A = tpu.sem_alloc : memref<!tpu.dma_semaphore, #tpu.memory_space<semaphore_mem>>
      %dma_start3A = tpu.memref_slice %arg7[%arg0, %add3A_141] : memref<2x1024000xf32, #tpu.memory_space<hbm>> -> memref<1x8000xf32, #tpu.memory_space<hbm>>
      %dma_start3A_154 = tpu.memref_squeeze %dma_start3A : memref<1x8000xf32, #tpu.memory_space<hbm>> -> memref<8000xf32, #tpu.memory_space<hbm>>
      %dma_start3A_155 = tpu.memref_slice %arg7[%arg0, %add3A_141] : memref<2x1024000xf32, #tpu.memory_space<hbm>> -> memref<1x8000xf32, #tpu.memory_space<hbm>>
      %dma_start3A_156 = tpu.memref_squeeze %dma_start3A_155 : memref<1x8000xf32, #tpu.memory_space<hbm>> -> memref<8000xf32, #tpu.memory_space<hbm>>
      tpu.enqueue_dma source(%arg12 : memref<8000xf32, #tpu.memory_space<vmem>>) target(%dma_start3A_156 : memref<8000xf32, #tpu.memory_space<hbm>>) target_semaphore(%run_scoped3A : memref<!tpu.dma_semaphore, #tpu.memory_space<semaphore_mem>>)
      %dma_wait3A = tpu.memref_slice %arg7[%arg0, %add3A_141] : memref<2x1024000xf32, #tpu.memory_space<hbm>> -> memref<1x8000xf32, #tpu.memory_space<hbm>>
      %dma_wait3A_157 = tpu.memref_squeeze %dma_wait3A : memref<1x8000xf32, #tpu.memory_space<hbm>> -> memref<8000xf32, #tpu.memory_space<hbm>>
      %dma_wait3A_158 = tpu.memref_slice %arg7[%arg0, %add3A_141] : memref<2x1024000xf32, #tpu.memory_space<hbm>> -> memref<1x8000xf32, #tpu.memory_space<hbm>>
      %dma_wait3A_159 = tpu.memref_squeeze %dma_wait3A_158 : memref<1x8000xf32, #tpu.memory_space<hbm>> -> memref<8000xf32, #tpu.memory_space<hbm>>
      tpu.wait_dma2 semaphore(%run_scoped3A : memref<!tpu.dma_semaphore, #tpu.memory_space<semaphore_mem>>) src(%arg12 : memref<8000xf32, #tpu.memory_space<vmem>>) dst(%dma_wait3A_159 : memref<8000xf32, #tpu.memory_space<hbm>>)
      tpu.yield
    }) : () -> ()
    %add3A_142 = arith.constant 16000 : i32
    %add3A_143 = arith.addi %mul3A_2, %add3A_142 : i32
    "tpu.region"() ({
      %run_scoped3A = tpu.sem_alloc : memref<!tpu.dma_semaphore, #tpu.memory_space<semaphore_mem>>
      %dma_start3A = tpu.memref_slice %arg15[%add3A_143] : memref<1024000xf32, #tpu.memory_space<vmem_shared>> -> memref<8000xf32, #tpu.memory_space<vmem_shared>>
      %dma_start3A_154 = tpu.memref_slice %arg15[%add3A_143] : memref<1024000xf32, #tpu.memory_space<vmem_shared>> -> memref<8000xf32, #tpu.memory_space<vmem_shared>>
      tpu.enqueue_dma source(%dma_start3A_154 : memref<8000xf32, #tpu.memory_space<vmem_shared>>) target(%arg12 : memref<8000xf32, #tpu.memory_space<vmem>>) target_semaphore(%run_scoped3A : memref<!tpu.dma_semaphore, #tpu.memory_space<semaphore_mem>>)
      %dma_wait3A = tpu.memref_slice %arg15[%add3A_143] : memref<1024000xf32, #tpu.memory_space<vmem_shared>> -> memref<8000xf32, #tpu.memory_space<vmem_shared>>
      %dma_wait3A_155 = tpu.memref_slice %arg15[%add3A_143] : memref<1024000xf32, #tpu.memory_space<vmem_shared>> -> memref<8000xf32, #tpu.memory_space<vmem_shared>>
      tpu.wait_dma2 semaphore(%run_scoped3A : memref<!tpu.dma_semaphore, #tpu.memory_space<semaphore_mem>>) src(%dma_wait3A_155 : memref<8000xf32, #tpu.memory_space<vmem_shared>>) dst(%arg12 : memref<8000xf32, #tpu.memory_space<vmem>>)
      tpu.yield
    }) : () -> ()
    "tpu.region"() ({
      %run_scoped3A = tpu.sem_alloc : memref<!tpu.dma_semaphore, #tpu.memory_space<semaphore_mem>>
      %dma_start3A = tpu.memref_slice %arg7[%arg0, %add3A_143] : memref<2x1024000xf32, #tpu.memory_space<hbm>> -> memref<1x8000xf32, #tpu.memory_space<hbm>>
      %dma_start3A_154 = tpu.memref_squeeze %dma_start3A : memref<1x8000xf32, #tpu.memory_space<hbm>> -> memref<8000xf32, #tpu.memory_space<hbm>>
      %dma_start3A_155 = tpu.memref_slice %arg7[%arg0, %add3A_143] : memref<2x1024000xf32, #tpu.memory_space<hbm>> -> memref<1x8000xf32, #tpu.memory_space<hbm>>
      %dma_start3A_156 = tpu.memref_squeeze %dma_start3A_155 : memref<1x8000xf32, #tpu.memory_space<hbm>> -> memref<8000xf32, #tpu.memory_space<hbm>>
      tpu.enqueue_dma source(%arg12 : memref<8000xf32, #tpu.memory_space<vmem>>) target(%dma_start3A_156 : memref<8000xf32, #tpu.memory_space<hbm>>) target_semaphore(%run_scoped3A : memref<!tpu.dma_semaphore, #tpu.memory_space<semaphore_mem>>)
      %dma_wait3A = tpu.memref_slice %arg7[%arg0, %add3A_143] : memref<2x1024000xf32, #tpu.memory_space<hbm>> -> memref<1x8000xf32, #tpu.memory_space<hbm>>
      %dma_wait3A_157 = tpu.memref_squeeze %dma_wait3A : memref<1x8000xf32, #tpu.memory_space<hbm>> -> memref<8000xf32, #tpu.memory_space<hbm>>
      %dma_wait3A_158 = tpu.memref_slice %arg7[%arg0, %add3A_143] : memref<2x1024000xf32, #tpu.memory_space<hbm>> -> memref<1x8000xf32, #tpu.memory_space<hbm>>
      %dma_wait3A_159 = tpu.memref_squeeze %dma_wait3A_158 : memref<1x8000xf32, #tpu.memory_space<hbm>> -> memref<8000xf32, #tpu.memory_space<hbm>>
      tpu.wait_dma2 semaphore(%run_scoped3A : memref<!tpu.dma_semaphore, #tpu.memory_space<semaphore_mem>>) src(%arg12 : memref<8000xf32, #tpu.memory_space<vmem>>) dst(%dma_wait3A_159 : memref<8000xf32, #tpu.memory_space<hbm>>)
      tpu.yield
    }) : () -> ()
    %add3A_144 = arith.constant 24000 : i32
    %add3A_145 = arith.addi %mul3A_2, %add3A_144 : i32
    "tpu.region"() ({
      %run_scoped3A = tpu.sem_alloc : memref<!tpu.dma_semaphore, #tpu.memory_space<semaphore_mem>>
      %dma_start3A = tpu.memref_slice %arg15[%add3A_145] : memref<1024000xf32, #tpu.memory_space<vmem_shared>> -> memref<8000xf32, #tpu.memory_space<vmem_shared>>
      %dma_start3A_154 = tpu.memref_slice %arg15[%add3A_145] : memref<1024000xf32, #tpu.memory_space<vmem_shared>> -> memref<8000xf32, #tpu.memory_space<vmem_shared>>
      tpu.enqueue_dma source(%dma_start3A_154 : memref<8000xf32, #tpu.memory_space<vmem_shared>>) target(%arg12 : memref<8000xf32, #tpu.memory_space<vmem>>) target_semaphore(%run_scoped3A : memref<!tpu.dma_semaphore, #tpu.memory_space<semaphore_mem>>)
      %dma_wait3A = tpu.memref_slice %arg15[%add3A_145] : memref<1024000xf32, #tpu.memory_space<vmem_shared>> -> memref<8000xf32, #tpu.memory_space<vmem_shared>>
      %dma_wait3A_155 = tpu.memref_slice %arg15[%add3A_145] : memref<1024000xf32, #tpu.memory_space<vmem_shared>> -> memref<8000xf32, #tpu.memory_space<vmem_shared>>
      tpu.wait_dma2 semaphore(%run_scoped3A : memref<!tpu.dma_semaphore, #tpu.memory_space<semaphore_mem>>) src(%dma_wait3A_155 : memref<8000xf32, #tpu.memory_space<vmem_shared>>) dst(%arg12 : memref<8000xf32, #tpu.memory_space<vmem>>)
      tpu.yield
    }) : () -> ()
    "tpu.region"() ({
      %run_scoped3A = tpu.sem_alloc : memref<!tpu.dma_semaphore, #tpu.memory_space<semaphore_mem>>
      %dma_start3A = tpu.memref_slice %arg7[%arg0, %add3A_145] : memref<2x1024000xf32, #tpu.memory_space<hbm>> -> memref<1x8000xf32, #tpu.memory_space<hbm>>
      %dma_start3A_154 = tpu.memref_squeeze %dma_start3A : memref<1x8000xf32, #tpu.memory_space<hbm>> -> memref<8000xf32, #tpu.memory_space<hbm>>
      %dma_start3A_155 = tpu.memref_slice %arg7[%arg0, %add3A_145] : memref<2x1024000xf32, #tpu.memory_space<hbm>> -> memref<1x8000xf32, #tpu.memory_space<hbm>>
      %dma_start3A_156 = tpu.memref_squeeze %dma_start3A_155 : memref<1x8000xf32, #tpu.memory_space<hbm>> -> memref<8000xf32, #tpu.memory_space<hbm>>
      tpu.enqueue_dma source(%arg12 : memref<8000xf32, #tpu.memory_space<vmem>>) target(%dma_start3A_156 : memref<8000xf32, #tpu.memory_space<hbm>>) target_semaphore(%run_scoped3A : memref<!tpu.dma_semaphore, #tpu.memory_space<semaphore_mem>>)
      %dma_wait3A = tpu.memref_slice %arg7[%arg0, %add3A_145] : memref<2x1024000xf32, #tpu.memory_space<hbm>> -> memref<1x8000xf32, #tpu.memory_space<hbm>>
      %dma_wait3A_157 = tpu.memref_squeeze %dma_wait3A : memref<1x8000xf32, #tpu.memory_space<hbm>> -> memref<8000xf32, #tpu.memory_space<hbm>>
      %dma_wait3A_158 = tpu.memref_slice %arg7[%arg0, %add3A_145] : memref<2x1024000xf32, #tpu.memory_space<hbm>> -> memref<1x8000xf32, #tpu.memory_space<hbm>>
      %dma_wait3A_159 = tpu.memref_squeeze %dma_wait3A_158 : memref<1x8000xf32, #tpu.memory_space<hbm>> -> memref<8000xf32, #tpu.memory_space<hbm>>
      tpu.wait_dma2 semaphore(%run_scoped3A : memref<!tpu.dma_semaphore, #tpu.memory_space<semaphore_mem>>) src(%arg12 : memref<8000xf32, #tpu.memory_space<vmem>>) dst(%dma_wait3A_159 : memref<8000xf32, #tpu.memory_space<hbm>>)
      tpu.yield
    }) : () -> ()
    %add3A_146 = arith.constant 32000 : i32
    %add3A_147 = arith.addi %mul3A_2, %add3A_146 : i32
    "tpu.region"() ({
      %run_scoped3A = tpu.sem_alloc : memref<!tpu.dma_semaphore, #tpu.memory_space<semaphore_mem>>
      %dma_start3A = tpu.memref_slice %arg15[%add3A_147] : memref<1024000xf32, #tpu.memory_space<vmem_shared>> -> memref<8000xf32, #tpu.memory_space<vmem_shared>>
      %dma_start3A_154 = tpu.memref_slice %arg15[%add3A_147] : memref<1024000xf32, #tpu.memory_space<vmem_shared>> -> memref<8000xf32, #tpu.memory_space<vmem_shared>>
      tpu.enqueue_dma source(%dma_start3A_154 : memref<8000xf32, #tpu.memory_space<vmem_shared>>) target(%arg12 : memref<8000xf32, #tpu.memory_space<vmem>>) target_semaphore(%run_scoped3A : memref<!tpu.dma_semaphore, #tpu.memory_space<semaphore_mem>>)
      %dma_wait3A = tpu.memref_slice %arg15[%add3A_147] : memref<1024000xf32, #tpu.memory_space<vmem_shared>> -> memref<8000xf32, #tpu.memory_space<vmem_shared>>
      %dma_wait3A_155 = tpu.memref_slice %arg15[%add3A_147] : memref<1024000xf32, #tpu.memory_space<vmem_shared>> -> memref<8000xf32, #tpu.memory_space<vmem_shared>>
      tpu.wait_dma2 semaphore(%run_scoped3A : memref<!tpu.dma_semaphore, #tpu.memory_space<semaphore_mem>>) src(%dma_wait3A_155 : memref<8000xf32, #tpu.memory_space<vmem_shared>>) dst(%arg12 : memref<8000xf32, #tpu.memory_space<vmem>>)
      tpu.yield
    }) : () -> ()
    "tpu.region"() ({
      %run_scoped3A = tpu.sem_alloc : memref<!tpu.dma_semaphore, #tpu.memory_space<semaphore_mem>>
      %dma_start3A = tpu.memref_slice %arg7[%arg0, %add3A_147] : memref<2x1024000xf32, #tpu.memory_space<hbm>> -> memref<1x8000xf32, #tpu.memory_space<hbm>>
      %dma_start3A_154 = tpu.memref_squeeze %dma_start3A : memref<1x8000xf32, #tpu.memory_space<hbm>> -> memref<8000xf32, #tpu.memory_space<hbm>>
      %dma_start3A_155 = tpu.memref_slice %arg7[%arg0, %add3A_147] : memref<2x1024000xf32, #tpu.memory_space<hbm>> -> memref<1x8000xf32, #tpu.memory_space<hbm>>
      %dma_start3A_156 = tpu.memref_squeeze %dma_start3A_155 : memref<1x8000xf32, #tpu.memory_space<hbm>> -> memref<8000xf32, #tpu.memory_space<hbm>>
      tpu.enqueue_dma source(%arg12 : memref<8000xf32, #tpu.memory_space<vmem>>) target(%dma_start3A_156 : memref<8000xf32, #tpu.memory_space<hbm>>) target_semaphore(%run_scoped3A : memref<!tpu.dma_semaphore, #tpu.memory_space<semaphore_mem>>)
      %dma_wait3A = tpu.memref_slice %arg7[%arg0, %add3A_147] : memref<2x1024000xf32, #tpu.memory_space<hbm>> -> memref<1x8000xf32, #tpu.memory_space<hbm>>
      %dma_wait3A_157 = tpu.memref_squeeze %dma_wait3A : memref<1x8000xf32, #tpu.memory_space<hbm>> -> memref<8000xf32, #tpu.memory_space<hbm>>
      %dma_wait3A_158 = tpu.memref_slice %arg7[%arg0, %add3A_147] : memref<2x1024000xf32, #tpu.memory_space<hbm>> -> memref<1x8000xf32, #tpu.memory_space<hbm>>
      %dma_wait3A_159 = tpu.memref_squeeze %dma_wait3A_158 : memref<1x8000xf32, #tpu.memory_space<hbm>> -> memref<8000xf32, #tpu.memory_space<hbm>>
      tpu.wait_dma2 semaphore(%run_scoped3A : memref<!tpu.dma_semaphore, #tpu.memory_space<semaphore_mem>>) src(%arg12 : memref<8000xf32, #tpu.memory_space<vmem>>) dst(%dma_wait3A_159 : memref<8000xf32, #tpu.memory_space<hbm>>)
      tpu.yield
    }) : () -> ()
    %add3A_148 = arith.constant 40000 : i32
    %add3A_149 = arith.addi %mul3A_2, %add3A_148 : i32
    "tpu.region"() ({
      %run_scoped3A = tpu.sem_alloc : memref<!tpu.dma_semaphore, #tpu.memory_space<semaphore_mem>>
      %dma_start3A = tpu.memref_slice %arg15[%add3A_149] : memref<1024000xf32, #tpu.memory_space<vmem_shared>> -> memref<8000xf32, #tpu.memory_space<vmem_shared>>
      %dma_start3A_154 = tpu.memref_slice %arg15[%add3A_149] : memref<1024000xf32, #tpu.memory_space<vmem_shared>> -> memref<8000xf32, #tpu.memory_space<vmem_shared>>
      tpu.enqueue_dma source(%dma_start3A_154 : memref<8000xf32, #tpu.memory_space<vmem_shared>>) target(%arg12 : memref<8000xf32, #tpu.memory_space<vmem>>) target_semaphore(%run_scoped3A : memref<!tpu.dma_semaphore, #tpu.memory_space<semaphore_mem>>)
      %dma_wait3A = tpu.memref_slice %arg15[%add3A_149] : memref<1024000xf32, #tpu.memory_space<vmem_shared>> -> memref<8000xf32, #tpu.memory_space<vmem_shared>>
      %dma_wait3A_155 = tpu.memref_slice %arg15[%add3A_149] : memref<1024000xf32, #tpu.memory_space<vmem_shared>> -> memref<8000xf32, #tpu.memory_space<vmem_shared>>
      tpu.wait_dma2 semaphore(%run_scoped3A : memref<!tpu.dma_semaphore, #tpu.memory_space<semaphore_mem>>) src(%dma_wait3A_155 : memref<8000xf32, #tpu.memory_space<vmem_shared>>) dst(%arg12 : memref<8000xf32, #tpu.memory_space<vmem>>)
      tpu.yield
    }) : () -> ()
    "tpu.region"() ({
      %run_scoped3A = tpu.sem_alloc : memref<!tpu.dma_semaphore, #tpu.memory_space<semaphore_mem>>
      %dma_start3A = tpu.memref_slice %arg7[%arg0, %add3A_149] : memref<2x1024000xf32, #tpu.memory_space<hbm>> -> memref<1x8000xf32, #tpu.memory_space<hbm>>
      %dma_start3A_154 = tpu.memref_squeeze %dma_start3A : memref<1x8000xf32, #tpu.memory_space<hbm>> -> memref<8000xf32, #tpu.memory_space<hbm>>
      %dma_start3A_155 = tpu.memref_slice %arg7[%arg0, %add3A_149] : memref<2x1024000xf32, #tpu.memory_space<hbm>> -> memref<1x8000xf32, #tpu.memory_space<hbm>>
      %dma_start3A_156 = tpu.memref_squeeze %dma_start3A_155 : memref<1x8000xf32, #tpu.memory_space<hbm>> -> memref<8000xf32, #tpu.memory_space<hbm>>
      tpu.enqueue_dma source(%arg12 : memref<8000xf32, #tpu.memory_space<vmem>>) target(%dma_start3A_156 : memref<8000xf32, #tpu.memory_space<hbm>>) target_semaphore(%run_scoped3A : memref<!tpu.dma_semaphore, #tpu.memory_space<semaphore_mem>>)
      %dma_wait3A = tpu.memref_slice %arg7[%arg0, %add3A_149] : memref<2x1024000xf32, #tpu.memory_space<hbm>> -> memref<1x8000xf32, #tpu.memory_space<hbm>>
      %dma_wait3A_157 = tpu.memref_squeeze %dma_wait3A : memref<1x8000xf32, #tpu.memory_space<hbm>> -> memref<8000xf32, #tpu.memory_space<hbm>>
      %dma_wait3A_158 = tpu.memref_slice %arg7[%arg0, %add3A_149] : memref<2x1024000xf32, #tpu.memory_space<hbm>> -> memref<1x8000xf32, #tpu.memory_space<hbm>>
      %dma_wait3A_159 = tpu.memref_squeeze %dma_wait3A_158 : memref<1x8000xf32, #tpu.memory_space<hbm>> -> memref<8000xf32, #tpu.memory_space<hbm>>
      tpu.wait_dma2 semaphore(%run_scoped3A : memref<!tpu.dma_semaphore, #tpu.memory_space<semaphore_mem>>) src(%arg12 : memref<8000xf32, #tpu.memory_space<vmem>>) dst(%dma_wait3A_159 : memref<8000xf32, #tpu.memory_space<hbm>>)
      tpu.yield
    }) : () -> ()
    %add3A_150 = arith.constant 48000 : i32
    %add3A_151 = arith.addi %mul3A_2, %add3A_150 : i32
    "tpu.region"() ({
      %run_scoped3A = tpu.sem_alloc : memref<!tpu.dma_semaphore, #tpu.memory_space<semaphore_mem>>
      %dma_start3A = tpu.memref_slice %arg15[%add3A_151] : memref<1024000xf32, #tpu.memory_space<vmem_shared>> -> memref<8000xf32, #tpu.memory_space<vmem_shared>>
      %dma_start3A_154 = tpu.memref_slice %arg15[%add3A_151] : memref<1024000xf32, #tpu.memory_space<vmem_shared>> -> memref<8000xf32, #tpu.memory_space<vmem_shared>>
      tpu.enqueue_dma source(%dma_start3A_154 : memref<8000xf32, #tpu.memory_space<vmem_shared>>) target(%arg12 : memref<8000xf32, #tpu.memory_space<vmem>>) target_semaphore(%run_scoped3A : memref<!tpu.dma_semaphore, #tpu.memory_space<semaphore_mem>>)
      %dma_wait3A = tpu.memref_slice %arg15[%add3A_151] : memref<1024000xf32, #tpu.memory_space<vmem_shared>> -> memref<8000xf32, #tpu.memory_space<vmem_shared>>
      %dma_wait3A_155 = tpu.memref_slice %arg15[%add3A_151] : memref<1024000xf32, #tpu.memory_space<vmem_shared>> -> memref<8000xf32, #tpu.memory_space<vmem_shared>>
      tpu.wait_dma2 semaphore(%run_scoped3A : memref<!tpu.dma_semaphore, #tpu.memory_space<semaphore_mem>>) src(%dma_wait3A_155 : memref<8000xf32, #tpu.memory_space<vmem_shared>>) dst(%arg12 : memref<8000xf32, #tpu.memory_space<vmem>>)
      tpu.yield
    }) : () -> ()
    "tpu.region"() ({
      %run_scoped3A = tpu.sem_alloc : memref<!tpu.dma_semaphore, #tpu.memory_space<semaphore_mem>>
      %dma_start3A = tpu.memref_slice %arg7[%arg0, %add3A_151] : memref<2x1024000xf32, #tpu.memory_space<hbm>> -> memref<1x8000xf32, #tpu.memory_space<hbm>>
      %dma_start3A_154 = tpu.memref_squeeze %dma_start3A : memref<1x8000xf32, #tpu.memory_space<hbm>> -> memref<8000xf32, #tpu.memory_space<hbm>>
      %dma_start3A_155 = tpu.memref_slice %arg7[%arg0, %add3A_151] : memref<2x1024000xf32, #tpu.memory_space<hbm>> -> memref<1x8000xf32, #tpu.memory_space<hbm>>
      %dma_start3A_156 = tpu.memref_squeeze %dma_start3A_155 : memref<1x8000xf32, #tpu.memory_space<hbm>> -> memref<8000xf32, #tpu.memory_space<hbm>>
      tpu.enqueue_dma source(%arg12 : memref<8000xf32, #tpu.memory_space<vmem>>) target(%dma_start3A_156 : memref<8000xf32, #tpu.memory_space<hbm>>) target_semaphore(%run_scoped3A : memref<!tpu.dma_semaphore, #tpu.memory_space<semaphore_mem>>)
      %dma_wait3A = tpu.memref_slice %arg7[%arg0, %add3A_151] : memref<2x1024000xf32, #tpu.memory_space<hbm>> -> memref<1x8000xf32, #tpu.memory_space<hbm>>
      %dma_wait3A_157 = tpu.memref_squeeze %dma_wait3A : memref<1x8000xf32, #tpu.memory_space<hbm>> -> memref<8000xf32, #tpu.memory_space<hbm>>
      %dma_wait3A_158 = tpu.memref_slice %arg7[%arg0, %add3A_151] : memref<2x1024000xf32, #tpu.memory_space<hbm>> -> memref<1x8000xf32, #tpu.memory_space<hbm>>
      %dma_wait3A_159 = tpu.memref_squeeze %dma_wait3A_158 : memref<1x8000xf32, #tpu.memory_space<hbm>> -> memref<8000xf32, #tpu.memory_space<hbm>>
      tpu.wait_dma2 semaphore(%run_scoped3A : memref<!tpu.dma_semaphore, #tpu.memory_space<semaphore_mem>>) src(%arg12 : memref<8000xf32, #tpu.memory_space<vmem>>) dst(%dma_wait3A_159 : memref<8000xf32, #tpu.memory_space<hbm>>)
      tpu.yield
    }) : () -> ()
    %add3A_152 = arith.constant 56000 : i32
    %add3A_153 = arith.addi %mul3A_2, %add3A_152 : i32
    "tpu.region"() ({
      %run_scoped3A = tpu.sem_alloc : memref<!tpu.dma_semaphore, #tpu.memory_space<semaphore_mem>>
      %dma_start3A = tpu.memref_slice %arg15[%add3A_153] : memref<1024000xf32, #tpu.memory_space<vmem_shared>> -> memref<8000xf32, #tpu.memory_space<vmem_shared>>
      %dma_start3A_154 = tpu.memref_slice %arg15[%add3A_153] : memref<1024000xf32, #tpu.memory_space<vmem_shared>> -> memref<8000xf32, #tpu.memory_space<vmem_shared>>
      tpu.enqueue_dma source(%dma_start3A_154 : memref<8000xf32, #tpu.memory_space<vmem_shared>>) target(%arg12 : memref<8000xf32, #tpu.memory_space<vmem>>) target_semaphore(%run_scoped3A : memref<!tpu.dma_semaphore, #tpu.memory_space<semaphore_mem>>)
      %dma_wait3A = tpu.memref_slice %arg15[%add3A_153] : memref<1024000xf32, #tpu.memory_space<vmem_shared>> -> memref<8000xf32, #tpu.memory_space<vmem_shared>>
      %dma_wait3A_155 = tpu.memref_slice %arg15[%add3A_153] : memref<1024000xf32, #tpu.memory_space<vmem_shared>> -> memref<8000xf32, #tpu.memory_space<vmem_shared>>
      tpu.wait_dma2 semaphore(%run_scoped3A : memref<!tpu.dma_semaphore, #tpu.memory_space<semaphore_mem>>) src(%dma_wait3A_155 : memref<8000xf32, #tpu.memory_space<vmem_shared>>) dst(%arg12 : memref<8000xf32, #tpu.memory_space<vmem>>)
      tpu.yield
    }) : () -> ()
    "tpu.region"() ({
      %run_scoped3A = tpu.sem_alloc : memref<!tpu.dma_semaphore, #tpu.memory_space<semaphore_mem>>
      %dma_start3A = tpu.memref_slice %arg7[%arg0, %add3A_153] : memref<2x1024000xf32, #tpu.memory_space<hbm>> -> memref<1x8000xf32, #tpu.memory_space<hbm>>
      %dma_start3A_154 = tpu.memref_squeeze %dma_start3A : memref<1x8000xf32, #tpu.memory_space<hbm>> -> memref<8000xf32, #tpu.memory_space<hbm>>
      %dma_start3A_155 = tpu.memref_slice %arg7[%arg0, %add3A_153] : memref<2x1024000xf32, #tpu.memory_space<hbm>> -> memref<1x8000xf32, #tpu.memory_space<hbm>>
      %dma_start3A_156 = tpu.memref_squeeze %dma_start3A_155 : memref<1x8000xf32, #tpu.memory_space<hbm>> -> memref<8000xf32, #tpu.memory_space<hbm>>
      tpu.enqueue_dma source(%arg12 : memref<8000xf32, #tpu.memory_space<vmem>>) target(%dma_start3A_156 : memref<8000xf32, #tpu.memory_space<hbm>>) target_semaphore(%run_scoped3A : memref<!tpu.dma_semaphore, #tpu.memory_space<semaphore_mem>>)
      %dma_wait3A = tpu.memref_slice %arg7[%arg0, %add3A_153] : memref<2x1024000xf32, #tpu.memory_space<hbm>> -> memref<1x8000xf32, #tpu.memory_space<hbm>>
      %dma_wait3A_157 = tpu.memref_squeeze %dma_wait3A : memref<1x8000xf32, #tpu.memory_space<hbm>> -> memref<8000xf32, #tpu.memory_space<hbm>>
      %dma_wait3A_158 = tpu.memref_slice %arg7[%arg0, %add3A_153] : memref<2x1024000xf32, #tpu.memory_space<hbm>> -> memref<1x8000xf32, #tpu.memory_space<hbm>>
      %dma_wait3A_159 = tpu.memref_squeeze %dma_wait3A_158 : memref<1x8000xf32, #tpu.memory_space<hbm>> -> memref<8000xf32, #tpu.memory_space<hbm>>
      tpu.wait_dma2 semaphore(%run_scoped3A : memref<!tpu.dma_semaphore, #tpu.memory_space<semaphore_mem>>) src(%arg12 : memref<8000xf32, #tpu.memory_space<vmem>>) dst(%dma_wait3A_159 : memref<8000xf32, #tpu.memory_space<hbm>>)
      tpu.yield
    }) : () -> ()
    return
  }
}

module attributes {stable_mosaic.version = 14 : i64} {
  func.func @_tables_body(%arg0: i32, %arg1: i32, %arg2: memref<1000x128xf32, #tpu.memory_space<vmem>>, %arg3: memref<1x128x128xf32, #tpu.memory_space<vmem>>, %arg4: memref<1000x128xf32, #tpu.memory_space<vmem>>) attributes {dimension_semantics = [#tpu.dimension_semantics<arbitrary>, #tpu.dimension_semantics<arbitrary>], iteration_bounds = array<i64: 2, 10>, scalar_prefetch = 0 : i64, scratch_operands = 0 : i64, tpu.core_type = #tpu.core_type<tc>, window_params = [{transform_indices = @transform_0, window_bounds = array<i64: 1000, 128>}, {transform_indices = @transform_1, window_bounds = array<i64: 1, 128, 128>}, {transform_indices = @transform_2, window_bounds = array<i64: 1000, 128>}]} {
    %get3A = arith.constant 0 : index
    %get3A_0 = arith.constant 0 : index
    %get3A_1 = vector.load %arg2[%get3A, %get3A_0] : memref<1000x128xf32, #tpu.memory_space<vmem>>, vector<1000x128xf32>
    %get3A_2 = arith.constant 0 : index
    %get3A_3 = arith.constant 0 : index
    %get3A_4 = arith.constant 0 : index
    %get3A_5 = vector.load %arg3[%get3A_2, %get3A_3, %get3A_4] : memref<1x128x128xf32, #tpu.memory_space<vmem>>, vector<1x128x128xf32>
    %get3A_6 = vector.shape_cast %get3A_5 : vector<1x128x128xf32> to vector<128x128xf32>
    %dot_general3A = arith.constant dense<0.000000e+00> : vector<1000x128xf32>
    %dot_general3A_7 = tpu.matmul %get3A_1, %get3A_6, %dot_general3A {dimension_numbers = #tpu.dot_dimension_numbers<[1], [0], [0], [1], [0, 0, 1, 1], [], []>, transpose_lhs_hint = false} : vector<1000x128xf32>, vector<128x128xf32>, vector<1000x128xf32> -> vector<1000x128xf32>
    %swap3A = arith.constant 0 : index
    %swap3A_8 = arith.constant 0 : index
    %swap3A_9 = vector.load %arg4[%swap3A, %swap3A_8] : memref<1000x128xf32, #tpu.memory_space<vmem>>, vector<1000x128xf32>
    tpu.vector_store %arg4[%swap3A, %swap3A_8], %dot_general3A_7 {strides = array<i32>} : memref<1000x128xf32, #tpu.memory_space<vmem>>, vector<1000x128xf32>,
    return
  }
  func.func @transform_0(%arg0: i32, %arg1: i32) -> (i32, i32) {
    %c0_i32 = arith.constant 0 : i32
    %c0_i32_0 = arith.constant 0 : i32
    return %arg1, %c0_i32 : i32, i32
  }
  func.func @transform_1(%arg0: i32, %arg1: i32) -> (i32, i32, i32) {
    %c0_i32 = arith.constant 0 : i32
    %c0_i32_0 = arith.constant 0 : i32
    %c0_i32_1 = arith.constant 0 : i32
    return %arg0, %c0_i32, %c0_i32_0 : i32, i32, i32
  }
  func.func @transform_2(%arg0: i32, %arg1: i32) -> (i32, i32) {
    %mul3A = arith.constant 10 : i32
    %mul3A_0 = arith.muli %arg0, %mul3A : i32
    %add3A = arith.addi %mul3A_0, %arg1 : i32
    %c0_i32 = arith.constant 0 : i32
    %c0_i32_1 = arith.constant 0 : i32
    return %add3A, %c0_i32 : i32, i32
  }
}

module attributes {stable_mosaic.version = 14 : i64} {
  func.func @_gidx_body(%arg0: memref<2500x128xi32, #tpu.memory_space<vmem>>, %arg1: memref<2500x128xi32, #tpu.memory_space<vmem>>, %arg2: memref<2500x128xi32, #tpu.memory_space<vmem>>, %arg3: memref<2500x128xi32, #tpu.memory_space<vmem>>, %arg4: memref<2500x128xi32, #tpu.memory_space<vmem>>, %arg5: memref<2500x128xi32, #tpu.memory_space<vmem>>) attributes {dimension_semantics = [], scalar_prefetch = 0 : i64, scratch_operands = 0 : i64, tpu.core_type = #tpu.core_type<tc>} {
    %get3A = arith.constant 0 : index
    %get3A_0 = arith.constant 0 : index
    %get3A_1 = vector.load %arg1[%get3A, %get3A_0] : memref<2500x128xi32, #tpu.memory_space<vmem>>, vector<2500x128xi32>
    %get3A_2 = arith.constant 0 : index
    %get3A_3 = arith.constant 0 : index
    %get3A_4 = vector.load %arg2[%get3A_2, %get3A_3] : memref<2500x128xi32, #tpu.memory_space<vmem>>, vector<2500x128xi32>
    %get3A_5 = arith.constant 0 : index
    %get3A_6 = arith.constant 0 : index
    %get3A_7 = vector.load %arg0[%get3A_5, %get3A_6] : memref<2500x128xi32, #tpu.memory_space<vmem>>, vector<2500x128xi32>
    %ge3A = arith.constant 100 : i32
    %ge3A_8 = vector.broadcast %ge3A : i32 to vector<2500x128xi32>
    %ge3A_9 = arith.cmpi sge, %get3A_1, %ge3A_8 : vector<2500x128xi32>
    %jit3A = arith.constant 10000 : i32
    %jit3A_10 = arith.constant 0 : i32
    %broadcast_in_dim3A = vector.broadcast %jit3A : i32 to vector<2500x128xi32>
    %broadcast_in_dim3A_11 = vector.broadcast %jit3A_10 : i32 to vector<2500x128xi32>
    %select_n3A = arith.select %ge3A_9, %broadcast_in_dim3A, %broadcast_in_dim3A_11 : vector<2500x128xi1>, vector<2500x128xi32>
    %add3A = arith.addi %get3A_7, %select_n3A : vector<2500x128xi32>
    %swap3A = arith.constant 0 : index
    %swap3A_12 = arith.constant 0 : index
    %swap3A_13 = vector.load %arg3[%swap3A, %swap3A_12] : memref<2500x128xi32, #tpu.memory_space<vmem>>, vector<2500x128xi32>
    tpu.vector_store %arg3[%swap3A, %swap3A_12], %add3A {strides = array<i32>} : memref<2500x128xi32, #tpu.memory_space<vmem>>, vector<2500x128xi32>,
    %mul3A = arith.constant 100 : i32
    %mul3A_14 = vector.broadcast %mul3A : i32 to vector<2500x128xi32>
    %mul3A_15 = arith.muli %get3A_4, %mul3A_14 : vector<2500x128xi32>
    %lt3A = arith.constant 100 : i32
    %lt3A_16 = vector.broadcast %lt3A : i32 to vector<2500x128xi32>
    %lt3A_17 = arith.cmpi slt, %get3A_1, %lt3A_16 : vector<2500x128xi32>
    %add3A_18 = arith.addi %mul3A_15, %get3A_1 : vector<2500x128xi32>
    %jit3A_19 = arith.constant 1023900 : i32
    %broadcast_in_dim3A_20 = vector.broadcast %jit3A_19 : i32 to vector<2500x128xi32>
    %select_n3A_21 = arith.select %lt3A_17, %add3A_18, %broadcast_in_dim3A_20 : vector<2500x128xi1>, vector<2500x128xi32>
    %swap3A_22 = arith.constant 0 : index
    %swap3A_23 = arith.constant 0 : index
    %swap3A_24 = vector.load %arg4[%swap3A_22, %swap3A_23] : memref<2500x128xi32, #tpu.memory_space<vmem>>, vector<2500x128xi32>
    tpu.vector_store %arg4[%swap3A_22, %swap3A_23], %select_n3A_21 {strides = array<i32>} : memref<2500x128xi32, #tpu.memory_space<vmem>>, vector<2500x128xi32>,
    %ge3A_25 = arith.constant 100 : i32
    %ge3A_26 = vector.broadcast %ge3A_25 : i32 to vector<2500x128xi32>
    %ge3A_27 = arith.cmpi sge, %get3A_1, %ge3A_26 : vector<2500x128xi32>
    %sub3A = arith.constant 100 : i32
    %sub3A_28 = vector.broadcast %sub3A : i32 to vector<2500x128xi32>
    %sub3A_29 = arith.subi %get3A_1, %sub3A_28 : vector<2500x128xi32>
    %add3A_30 = arith.addi %mul3A_15, %sub3A_29 : vector<2500x128xi32>
    %jit3A_31 = arith.constant 1023900 : i32
    %broadcast_in_dim3A_32 = vector.broadcast %jit3A_31 : i32 to vector<2500x128xi32>
    %select_n3A_33 = arith.select %ge3A_27, %add3A_30, %broadcast_in_dim3A_32 : vector<2500x128xi1>, vector<2500x128xi32>
    %swap3A_34 = arith.constant 0 : index
    %swap3A_35 = arith.constant 0 : index
    %swap3A_36 = vector.load %arg5[%swap3A_34, %swap3A_35] : memref<2500x128xi32, #tpu.memory_space<vmem>>, vector<2500x128xi32>
    tpu.vector_store %arg5[%swap3A_34, %swap3A_35], %select_n3A_33 {strides = array<i32>} : memref<2500x128xi32, #tpu.memory_space<vmem>>, vector<2500x128xi32>,
    return
  }
}

module attributes {stable_mosaic.version = 14 : i64} {
  func.func @_rel_body(%arg0: memref<200x128xf32, #tpu.memory_space<vmem>>, %arg1: memref<128x128xf32, #tpu.memory_space<vmem>>, %arg2: memref<128x128xf32, #tpu.memory_space<vmem>>, %arg3: memref<128x128xf32, #tpu.memory_space<vmem>>, %arg4: memref<1x128xf32, #tpu.memory_space<vmem>>, %arg5: memref<1x128xf32, #tpu.memory_space<vmem>>, %arg6: memref<1x128xf32, #tpu.memory_space<vmem>>, %arg7: memref<200x128xf32, #tpu.memory_space<vmem>>, %arg8: memref<200x128xf32, #tpu.memory_space<vmem>>) attributes {dimension_semantics = [], scalar_prefetch = 0 : i64, scratch_operands = 0 : i64, tpu.core_type = #tpu.core_type<tc>} {
    %get3A = arith.constant 0 : index
    %get3A_0 = arith.constant 0 : index
    %get3A_1 = vector.load %arg0[%get3A, %get3A_0] : memref<200x128xf32, #tpu.memory_space<vmem>>, vector<200x128xf32>
    %get3A_2 = arith.constant 0 : index
    %get3A_3 = arith.constant 0 : index
    %get3A_4 = vector.load %arg1[%get3A_2, %get3A_3] : memref<128x128xf32, #tpu.memory_space<vmem>>, vector<128x128xf32>
    %dot_general3A = arith.constant dense<0.000000e+00> : vector<200x128xf32>
    %dot_general3A_5 = tpu.matmul %get3A_1, %get3A_4, %dot_general3A {dimension_numbers = #tpu.dot_dimension_numbers<[1], [0], [0], [1], [0, 0, 1, 1], [], []>, transpose_lhs_hint = false} : vector<200x128xf32>, vector<128x128xf32>, vector<200x128xf32> -> vector<200x128xf32>
    %get3A_6 = arith.constant 0 : index
    %get3A_7 = arith.constant 0 : index
    %get3A_8 = vector.load %arg2[%get3A_6, %get3A_7] : memref<128x128xf32, #tpu.memory_space<vmem>>, vector<128x128xf32>
    %dot_general3A_9 = arith.constant dense<0.000000e+00> : vector<200x128xf32>
    %dot_general3A_10 = tpu.matmul %get3A_1, %get3A_8, %dot_general3A_9 {dimension_numbers = #tpu.dot_dimension_numbers<[1], [0], [0], [1], [0, 0, 1, 1], [], []>, transpose_lhs_hint = false} : vector<200x128xf32>, vector<128x128xf32>, vector<200x128xf32> -> vector<200x128xf32>
    %get3A_11 = arith.constant 0 : index
    %get3A_12 = arith.constant 0 : index
    %get3A_13 = vector.load %arg3[%get3A_11, %get3A_12] : memref<128x128xf32, #tpu.memory_space<vmem>>, vector<128x128xf32>
    %dot_general3A_14 = arith.constant dense<0.000000e+00> : vector<200x128xf32>
    %dot_general3A_15 = tpu.matmul %get3A_1, %get3A_13, %dot_general3A_14 {dimension_numbers = #tpu.dot_dimension_numbers<[1], [0], [0], [1], [0, 0, 1, 1], [], []>, transpose_lhs_hint = false} : vector<200x128xf32>, vector<128x128xf32>, vector<200x128xf32> -> vector<200x128xf32>
    %iota3A = tpu.iota {dimensions = array<i32: 0>} : vector<200x128xi32>
    %lt3A = arith.constant 100 : i32
    %lt3A_16 = vector.broadcast %lt3A : i32 to vector<200x128xi32>
    %lt3A_17 = arith.cmpi slt, %iota3A, %lt3A_16 : vector<200x128xi32>
    %get3A_18 = arith.constant 0 : index
    %get3A_19 = arith.constant 0 : index
    %get3A_20 = vector.load %arg4[%get3A_18, %get3A_19] : memref<1x128xf32, #tpu.memory_space<vmem>>, vector<1x128xf32>
    %sub3A = vector.broadcast %get3A_20 : vector<1x128xf32> to vector<200x128xf32>
    %sub3A_21 = arith.subf %sub3A, %dot_general3A_5 : vector<200x128xf32>
    %get3A_22 = arith.constant 0 : index
    %get3A_23 = arith.constant 0 : index
    %get3A_24 = vector.load %arg5[%get3A_22, %get3A_23] : memref<1x128xf32, #tpu.memory_space<vmem>>, vector<1x128xf32>
    %sub3A_25 = vector.broadcast %get3A_24 : vector<1x128xf32> to vector<200x128xf32>
    %sub3A_26 = arith.subf %sub3A_25, %dot_general3A_10 : vector<200x128xf32>
    %select_n3A = arith.select %lt3A_17, %sub3A_21, %sub3A_26 : vector<200x128xi1>, vector<200x128xf32>
    %swap3A = arith.constant 0 : index
    %swap3A_27 = arith.constant 0 : index
    %swap3A_28 = vector.load %arg7[%swap3A, %swap3A_27] : memref<200x128xf32, #tpu.memory_space<vmem>>, vector<200x128xf32>
    tpu.vector_store %arg7[%swap3A, %swap3A_27], %select_n3A {strides = array<i32>} : memref<200x128xf32, #tpu.memory_space<vmem>>, vector<200x128xf32>,
    %get3A_29 = arith.constant 0 : index
    %get3A_30 = arith.constant 0 : index
    %get3A_31 = vector.load %arg6[%get3A_29, %get3A_30] : memref<1x128xf32, #tpu.memory_space<vmem>>, vector<1x128xf32>
    %add3A = vector.broadcast %get3A_31 : vector<1x128xf32> to vector<200x128xf32>
    %add3A_32 = arith.addf %dot_general3A_15, %add3A : vector<200x128xf32>
    %swap3A_33 = arith.constant 0 : index
    %swap3A_34 = arith.constant 0 : index
    %swap3A_35 = vector.load %arg8[%swap3A_33, %swap3A_34] : memref<200x128xf32, #tpu.memory_space<vmem>>, vector<200x128xf32>
    tpu.vector_store %arg8[%swap3A_33, %swap3A_34], %add3A_32 {strides = array<i32>} : memref<200x128xf32, #tpu.memory_space<vmem>>, vector<200x128xf32>,
    return
  }
}

module attributes {stable_mosaic.version = 14 : i64} {
  func.func @_mean_body(%arg0: i32, %arg1: memref<2048x128xf32, #tpu.memory_space<vmem>>, %arg2: memref<2048x128xf32, #tpu.memory_space<vmem>>, %arg3: memref<2048x128xf32, #tpu.memory_space<vmem>>, %arg4: memref<128x128xf32, #tpu.memory_space<vmem>>, %arg5: memref<128x128xf32, #tpu.memory_space<vmem>>, %arg6: memref<2048x128xf32, #tpu.memory_space<vmem>>) attributes {dimension_semantics = [#tpu.dimension_semantics<arbitrary>], iteration_bounds = array<i64: 5>, scalar_prefetch = 0 : i64, scratch_operands = 0 : i64, tpu.core_type = #tpu.core_type<tc>, window_params = [{transform_indices = @transform_0, window_bounds = array<i64: 2048, 128>}, {transform_indices = @transform_1, window_bounds = array<i64: 2048, 128>}, {transform_indices = @transform_2, window_bounds = array<i64: 2048, 128>}, {pipeline_mode = #tpu.pipeline_mode<synchronous>, transform_indices = @transform_3, window_bounds = array<i64: 128, 128>}, {pipeline_mode = #tpu.pipeline_mode<synchronous>, transform_indices = @transform_4, window_bounds = array<i64: 128, 128>}, {transform_indices = @transform_5, window_bounds = array<i64: 2048, 128>}]} {
    %get3A = arith.constant 0 : index
    %get3A_0 = arith.constant 0 : index
    %get3A_1 = vector.load %arg2[%get3A, %get3A_0] : memref<2048x128xf32, #tpu.memory_space<vmem>>, vector<2048x128xf32>
    %get3A_2 = arith.constant 0 : index
    %get3A_3 = arith.constant 0 : index
    %get3A_4 = vector.load %arg3[%get3A_2, %get3A_3] : memref<2048x128xf32, #tpu.memory_space<vmem>>, vector<2048x128xf32>
    %get3A_5 = arith.constant 0 : index
    %get3A_6 = arith.constant 0 : index
    %get3A_7 = vector.load %arg4[%get3A_5, %get3A_6] : memref<128x128xf32, #tpu.memory_space<vmem>>, vector<128x128xf32>
    %dot_general3A = arith.constant dense<0.000000e+00> : vector<2048x128xf32>
    %dot_general3A_8 = tpu.matmul %get3A_1, %get3A_7, %dot_general3A {dimension_numbers = #tpu.dot_dimension_numbers<[1], [0], [0], [1], [0, 0, 1, 1], [], []>, transpose_lhs_hint = false} : vector<2048x128xf32>, vector<128x128xf32>, vector<2048x128xf32> -> vector<2048x128xf32>
    %get3A_9 = arith.constant 0 : index
    %get3A_10 = arith.constant 0 : index
    %get3A_11 = vector.load %arg5[%get3A_9, %get3A_10] : memref<128x128xf32, #tpu.memory_space<vmem>>, vector<128x128xf32>
    %dot_general3A_12 = arith.constant dense<0.000000e+00> : vector<2048x128xf32>
    %dot_general3A_13 = tpu.matmul %get3A_4, %get3A_11, %dot_general3A_12 {dimension_numbers = #tpu.dot_dimension_numbers<[1], [0], [0], [1], [0, 0, 1, 1], [], []>, transpose_lhs_hint = false} : vector<2048x128xf32>, vector<128x128xf32>, vector<2048x128xf32> -> vector<2048x128xf32>
    %add3A = arith.addf %dot_general3A_8, %dot_general3A_13 : vector<2048x128xf32>
    %add3A_14 = arith.addf %get3A_1, %get3A_4 : vector<2048x128xf32>
    %reduce_sum3A = arith.constant dense<0.000000e+00> : vector<2048xf32>
    %reduce_sum3A_15 = vector.multi_reduction <add>, %add3A_14, %reduce_sum3A [1] : vector<2048x128xf32> to vector<2048xf32>
    %broadcast_in_dim3A = vector.shape_cast %reduce_sum3A_15 : vector<2048xf32> to vector<2048x1xf32>
    %get3A_16 = arith.constant 0 : index
    %get3A_17 = arith.constant 0 : index
    %get3A_18 = vector.load %arg1[%get3A_16, %get3A_17] : memref<2048x128xf32, #tpu.memory_space<vmem>>, vector<2048x128xf32>
    %add3A_19 = arith.addf %get3A_18, %add3A : vector<2048x128xf32>
    %max3A = arith.constant 1.000000e+00 : f32
    %max3A_20 = vector.broadcast %max3A : f32 to vector<2048x1xf32>
    %max3A_21 = arith.maximumf %broadcast_in_dim3A, %max3A_20 : vector<2048x1xf32>
    %div3A = vector.broadcast %max3A_21 : vector<2048x1xf32> to vector<2048x128xf32>
    %div3A_22 = arith.divf %add3A_19, %div3A : vector<2048x128xf32>
    %swap3A = arith.constant 0 : index
    %swap3A_23 = arith.constant 0 : index
    %swap3A_24 = vector.load %arg6[%swap3A, %swap3A_23] : memref<2048x128xf32, #tpu.memory_space<vmem>>, vector<2048x128xf32>
    tpu.vector_store %arg6[%swap3A, %swap3A_23], %div3A_22 {strides = array<i32>} : memref<2048x128xf32, #tpu.memory_space<vmem>>, vector<2048x128xf32>,
    return
  }
  func.func @transform_0(%arg0: i32) -> (i32, i32) {
    %c0_i32 = arith.constant 0 : i32
    %c0_i32_0 = arith.constant 0 : i32
    return %arg0, %c0_i32 : i32, i32
  }
  func.func @transform_1(%arg0: i32) -> (i32, i32) {
    %c0_i32 = arith.constant 0 : i32
    %c0_i32_0 = arith.constant 0 : i32
    return %arg0, %c0_i32 : i32, i32
  }
  func.func @transform_2(%arg0: i32) -> (i32, i32) {
    %c0_i32 = arith.constant 0 : i32
    %c0_i32_0 = arith.constant 0 : i32
    return %arg0, %c0_i32 : i32, i32
  }
  func.func @transform_3(%arg0: i32) -> (i32, i32) {
    %c0_i32 = arith.constant 0 : i32
    %c0_i32_0 = arith.constant 0 : i32
    %c0_i32_1 = arith.constant 0 : i32
    return %c0_i32, %c0_i32_0 : i32, i32
  }
  func.func @transform_4(%arg0: i32) -> (i32, i32) {
    %c0_i32 = arith.constant 0 : i32
    %c0_i32_0 = arith.constant 0 : i32
    %c0_i32_1 = arith.constant 0 : i32
    return %c0_i32, %c0_i32_0 : i32, i32
  }
  func.func @transform_5(%arg0: i32) -> (i32, i32) {
    %c0_i32 = arith.constant 0 : i32
    %c0_i32_0 = arith.constant 0 : i32
    return %arg0, %c0_i32 : i32, i32
  }
}

</mosaic_0001>

<sc_bundles>
// kernel: kernel.7.cloned.1.call-start
scs
__scs_entry_jumppad:
0x0: {  	(pc) =	sbr.rel $0x88, $3  }
0x1: {  	(tag) =	ssettag $0x0;
	lr =	simm.s32 $0x1  }
0x2: {  	[smem:$0x3F97] =	sst lr;
	_ =	strace $0xD0000000  }
0x3: {  	_ = 	snop  }
0x4: {  	_ = 	snop  }
0x5: {  	_ = 	snop  }
0x6: {  	_ = 	snop  }
0x7: {  	_ = 	snop  }
__scs_overlays_trampoline_lowered:
0x8: {  	[smem:$0x3FA6] =	sst s0  }
0x9: {  	[smem:$0x3FA7] =	sst s1  }
0xa: {  	[smem:$0x3FA8] =	sst s2  }
0xb: {  	[smem:$0x3FA9] =	sst s3  }
0xc: {  	[smem:$0x3FAA] =	sst s4  }
0xd: {  	[smem:$0x3FAB] =	sst s5  }
0xe: {  	[smem:$0x3FAC] =	sst s6  }
0xf: {  	[smem:$0x3FAD] =	sst s7  }
0x10: {  	[smem:$0x3FAE] =	sst s8  }
0x11: {  	[smem:$0x3FAF] =	sst s9;
	s0 =	simm.s32 @!p0 $0x0  }
0x12: {  	s1 =	sld [smem:$0x3F95];
	s0 =	simm.s32 @p0 $0x1  }
0x13: {  	[smem:$0x3FB0] =	sst s0;
	s0 =	simm.s32 @!p1 $0x0  }
0x14: {  	s2 =	sld [smem:$0x3F94];
	s0 =	simm.s32 @p1 $0x1  }
0x15: {  	[smem:$0x3FB1] =	sst s0;
	s0 =	simm.s32 @!p2 $0x0  }
0x16: {  	s3 =	sld [smem:$0x3FDB];
	s0 =	simm.s32 @p2 $0x1  }
0x17: {  	s4 =	simm.s32 $0x1BF5;
	[smem:$0x3FB3] =	sst s0  }
0x18: {  	s0 =	sld [smem:$0x3F96];
	_ =	swait.ge [sflag:s4], $0x0  }
0x19: {  	s7 =	sld [smem:$0x3F97]  }
0x1a: {  	s8 =	sadd.s32 $0xFFFFE003, lr  }
0x1b: {  	s9 =	sadd.s32 $0xFFFFFEF7, lr;
	s5 =	simm.s32 $0xFFFFFFFF;
	p2 =	slt.u32 s8, $0xFFFFF086  }
0x1c: {  	p1 =	slt.u32 s9, $0xF7A;
	s5 =	simm.s32 @!p2 $0x0  }
0x1d: {  	s5 =	simm.s32 @p1 $0x1;
	p0 =	seq.s32 s7, s2  }
0x1e: {  	s7 =	smul.u32 @!p0 $0xF7A, s2;
	p2 =	seq.s32 @!p0 s5, $0x0  }
0x1f: {  	s9 =	smul.u32 $0xF7A, s1;
	s8 =	simm.s32 @!p0 $0x1BF5;
	p2 =	por !p2, p0  }
0x20: {  	[sflag:s8] =	ssyncset.s32 @!p0 $0xFFFFF086;
	s6 =	sadd.s32 @!p0 s3, s7;
	s7 =	simm.s32 @!p0 $0x108  }
0x21: {  	s3 =	sadd.s32 s3, s9;
	s6 =	sadd.s32 @!p0 $0x88, s6;
	s7 =	simm.s32 @p2 $0x1082  }
0x22: {  	[simem:s7], [sflag:s8] =	dma.local @!p0 [hbm:s6], $0xF7A  }
0x23: {  	s9 =	sor.u32 $0xD0000000, s2;
	s6 =	simm.s32 $0x108;
	_ =	swait.ge @!p0 [sflag:s8], $0x0  }
0x24: {  	s3 =	sadd.s32 $0x88, s3;
	s6 =	simm.s32 @!p1 $0x1082;
	[sflag:s4] =	ssyncset.s32 $0xFFFFF086  }
0x25: {  	[simem:s6], [sflag:s4] =	dma.local [hbm:s3], $0xF7A  }
0x26: {  	[smem:$0x3F97] =	sst s1;
	(tag) =	ssettag s2;
	_ =	strace s9  }
0x27: {  	s1 =	sld [smem:$0x3FA7]  }
0x28: {  	s2 =	sld [smem:$0x3FA8]  }
0x29: {  	s4 =	sld [smem:$0x3FAA]  }
0x2a: {  	p0 =	seq.s32 s5, $0x0;
	s5 =	sld [smem:$0x3FAB]  }
0x2b: {  	s6 =	sld [smem:$0x3FAC]  }
0x2c: {  	s7 =	sld [smem:$0x3FAD]  }
0x2d: {  	s3 =	simm.s32 $0x108;
	s8 =	sld [smem:$0x3FAE]  }
0x2e: {  	s3 =	simm.s32 @!p0 $0x1082;
	s9 =	sld [smem:$0x3FAF]  }
0x2f: {  	lr =	sadd.s32 s0, s3;
	s0 =	sld [smem:$0x3FA6]  }
0x30: {  	s3 =	sld [smem:$0x3FA9]  }
0x31: {  	[smem:$0x3FB2] =	sst s10  }
0x32: {  	s10 =	sld [smem:$0x3FB0];
	_ =	sdelay $0x3  }
0x33: {  	p0 =	seq.s32 s10, $0x1;
	s10 =	sld [smem:$0x3FB2];
	_ =	sdelay $0x3  }
0x34: {  	[smem:$0x3FB2] =	sst s10  }
0x35: {  	s10 =	sld [smem:$0x3FB1];
	_ =	sdelay $0x3  }
0x36: {  	p1 =	seq.s32 s10, $0x1;
	s10 =	sld [smem:$0x3FB2];
	_ =	sdelay $0x3  }
0x37: {  	[smem:$0x3FB2] =	sst s10  }
0x38: {  	s10 =	sld [smem:$0x3FB3]  }
0x39: {  	_ = 	snop;
	(pc) =	sbr.ind lr, $3  }
0x3a: {  	_ = 	snop  }
0x3b: {  	_ = 	snop  }
0x3c: {  	p2 =	seq.s32 s10, $0x1;
	s10 =	sld [smem:$0x3FB2]  }
0x3d: {  	_ =	shalt  }
0x3e: {  	_ =	shalt  }
0x3f: {  	_ =	shalt  }
0x40: {  	_ =	shalt  }
0x41: {  	_ =	shalt  }
0x42: {  	_ =	shalt  }
0x43: {  	_ =	shalt  }
0x44: {  	_ =	shalt  }
0x45: {  	_ =	shalt  }
0x46: {  	_ =	shalt  }
0x47: {  	_ =	shalt  }
0x48: {  	_ =	shalt  }
0x49: {  	_ =	shalt  }
0x4a: {  	_ =	shalt  }
0x4b: {  	_ =	shalt  }
0x4c: {  	_ =	shalt  }
0x4d: {  	_ =	shalt  }
0x4e: {  	_ =	shalt  }
0x4f: {  	_ =	shalt  }
0x50: {  	_ =	shalt  }
0x51: {  	_ =	shalt  }
0x52: {  	_ =	shalt  }
0x53: {  	_ =	shalt  }
0x54: {  	_ =	shalt  }
0x55: {  	_ =	shalt  }
0x56: {  	_ =	shalt  }
0x57: {  	_ =	shalt  }
0x58: {  	_ =	shalt  }
0x59: {  	_ =	shalt  }
0x5a: {  	_ =	shalt  }
0x5b: {  	_ =	shalt  }
0x5c: {  	_ =	shalt  }
0x5d: {  	_ =	shalt  }
0x5e: {  	_ =	shalt  }
0x5f: {  	_ =	shalt  }
0x60: {  	_ =	shalt  }
0x61: {  	_ =	shalt  }
0x62: {  	_ =	shalt  }
0x63: {  	_ =	shalt  }
0x64: {  	_ =	shalt  }
0x65: {  	_ =	shalt  }
0x66: {  	_ =	shalt  }
0x67: {  	_ =	shalt  }
0x68: {  	_ =	shalt  }
0x69: {  	_ =	shalt  }
0x6a: {  	_ =	shalt  }
0x6b: {  	_ =	shalt  }
0x6c: {  	_ =	shalt  }
0x6d: {  	_ =	shalt  }
0x6e: {  	_ =	shalt  }
0x6f: {  	_ =	shalt  }
0x70: {  	_ =	shalt  }
0x71: {  	_ =	shalt  }
0x72: {  	_ =	shalt  }
0x73: {  	_ =	shalt  }
0x74: {  	_ =	shalt  }
0x75: {  	_ =	shalt  }
0x76: {  	_ =	shalt  }
0x77: {  	_ =	shalt  }
0x78: {  	_ =	shalt  }
0x79: {  	_ =	shalt  }
0x7a: {  	_ =	shalt  }
0x7b: {  	_ =	shalt  }
0x7c: {  	_ =	shalt  }
0x7d: {  	_ =	shalt  }
0x7e: {  	_ =	shalt  }
0x7f: {  	_ =	shalt  }
0x80: {  	_ =	shalt  }
0x81: {  	_ =	shalt  }
0x82: {  	_ =	shalt  }
0x83: {  	_ =	shalt  }
0x84: {  	_ =	shalt  }
0x85: {  	_ =	shalt  }
0x86: {  	_ =	shalt  }
0x87: {  	_ =	shalt  }
.Lfunc_end0:
.L_simem_size_0:
called_computation_lowered:
.L_overlay_start_0:
0x88: {  	s2 =	sld [smem:$0x3FD9]  }
0x89: {  	s3 =	sld [smem:$0x3FFE];
	_ =	sdelay $0x1  }
0x8a: {  	s1 =	srdreg.scid  }
0x8b: {  	s0 =	sand.u32 $0x1, s1  }
0x8c: {  	s14 =	sshll.u32 s0, $0xA;
	s2 =	sadd.s32 s3, s2  }
0x8d: {  	s2 =	sadd.s32 s2, s14  }
0x8e: {  	[smem:$0x3FBE] =	sst s2  }
0x8f: {  	_ = 	snop  }
0x90: {  	s2 =	sld [smem:$0x3FD0];
	_ =	sdelay $0x2  }
0x91: {  	s15 =	simm.s32 $0xA;
	s4 =	simm.s32 $0x10  }
0x92: {  	[smem:s4], [sflag:s15] =	dma.local [hbm:s2], $0x1  }
0x93: {  	_ =	swait.eq [sflag:s15], $0x1  }
0x94: {  	[sflag:s15] =	ssyncset.done $0x0  }
0x95: {  	[sflag:s15] =	ssyncadd.s32 $0xFFFFFFFF  }
0x96: {  	s16 =	sld [smem:$0x10];
	(tm) =	ssettm $0x1  }
0x97: {  	s17 =	sld [smem:$0x3FFB];
	_ =	sdelay $0x3  }
0x98: {  	_ =	strace s17  }
0x99: {  	s3 =	sld [smem:$0x3FFC];
	_ =	sdelay $0x3  }
0x9a: {  	_ =	strace s3  }
0x9b: {  	s3 =	sld [smem:$0x3FFD];
	_ =	sdelay $0x3  }
0x9c: {  	_ =	strace s3  }
0x9d: {  	_ =	strace $0x8FFFFFFF  }
0x9e: {  	s18 =	sld [smem:$0x3FDB];
	_ =	sdelay $0x1  }
0x9f: {  	s19 =	simm.s32 $_scs_section_size  }
0xa0: {  	s5 =	simm.s32 $_size__tile_overlayer_lowered;
	s6 =	simm.s32 $_tile_overlayer_lowered  }
0xa1: {  	s22 =	simm.s32 $0x1BFF;
	s21 =	sshll.u32 s6, $0x1;
	s3 =	sadd.s32 s19, s18  }
0xa2: {  	s7 =	simm.s32 $0x0;
	s20 =	sshll.u32 s5, $0x1;
	s5 =	sadd.s32 s21, s3  }
0xa3: {  	[timem:s7], [sflag:s22] =	dma.local [hbm:s5], s20  }
0xa4: {  	_ =	swait.ge [sflag:s22], s20  }
0xa5: {  	s4 =	ssub.s32 $0x0, s20;
	[sflag:s22] =	ssyncset.done $0x0  }
0xa6: {  	[sflag:s22] =	ssyncadd.s32 s4;
	_ =	sdelay $0x1  }
0xa7: {  	s23 =	simm.s32 $0x1B8B  }
0xa8: {  	_ =	swait.ge [sflag:s23], $0x1  }
0xa9: {  	[sflag:s23] =	ssyncset.done $0x0  }
0xaa: {  	s25 =	simm.s32 $0x1B8E;
	s24 =	sld [smem:$0x3FFE];
	[sflag:s23] =	ssyncadd.s32 $0xFFFFFFFF  }
0xab: {  	s26 =	simm.s32 $execute0_lowered;
	[smem:$0x3FD2] =	sst s25  }
0xac: {  	s5 =	sshll.u32 s26, $0x1;
	_ =	strace $0x80000046;
	[dreg:$0x1] =	wrdreg $0xFFFFFFFF  }
0xad: {  	s28 =	simm.s32 $_size_execute0_lowered;
	s3 =	sadd.s32 s3, s5;
	[dreg:$0x0] =	wrdreg $0x0  }
0xae: {  	s5 =	sshll.u32 s28, $0x1;
	[dreg:$0x2] =	wrdreg s3  }
0xaf: {  	[dreg:$0x3] =	wrdreg s5  }
0xb0: {  	[dreg:$0x4] =	wrdreg $0xC0  }
0xb1: {  	_ =	task [dreg:s7], $0x5FFFF  }
0xb2: {  	[dreg:$0x1] =	wrdreg $0xFFFFFFFF  }
0xb3: {  	[dreg:$0x0] =	wrdreg $0x60  }
0xb4: {  	[dreg:$0x2] =	wrdreg s24  }
0xb5: {  	[dreg:$0x3] =	wrdreg s16  }
0xb6: {  	[dreg:$0x4] =	wrdreg $0x41400  }
0xb7: {  	[dreg:$0x5] =	wrdreg $0xE1400  }
0xb8: {  	[dreg:$0x6] =	wrdreg $0x9  }
0xb9: {  	_ =	task.clear_ibuf [dreg:s7], $0x7FFFF;
	_ =	strace $0x90000046  }
0xba: {  	s29 =	simm.s32 $0x9;
	_ =	strace $0x80000048  }
0xbb: {  	_ =	swait.ge [sflag:s29], $0x1  }
0xbc: {  	[sflag:s29] =	ssyncadd.s32 $0xFFFFFFFF  }
0xbd: {  	_ =	strace $0x90000048  }
0xbe: {  	_ =	sfence  }
0xbf: {  	s30 =	sld [smem:$0x0];
	_ =	sdelay $0x2  }
0xc0: {  	s31 =	sshll.u32 s1, $0xD;
	s1 =	sshrl.u32 s1, $0x2  }
0xc1: {  	s3 =	sand.u32 $0x4000, s31;
	s1 =	sadd.s32 s1, s30  }
0xc2: {  	s0 =	sor.u32 s3, s0;
	s1 =	sshll.u32 s1, $0x11  }
0xc3: {  	s0 =	sor.u32 s1, s0  }
0xc4: {  	s0 =	sadd.s32 $0x8F2B, s0  }
0xc5: {  	[sflag:s0] =	ssyncadd.remote.s32 $0x1  }
0xc6: {  	_ =	sfence.sel $0xFFFF  }
0xc7: {  	[dreg:$0x0] =	wrdreg $0xFFFFFFFF;
	(pc) =	sbr.abs _section_cstart, $3  }
0xc8: {  	[dreg:$0x1] =	wrdreg $0xFFFFFFFF  }
0xc9: {  	_ =	task.clear_ibuf [dreg:s7], $0x2FFFF;
	_ =	strace $0x9FFFFFFF  }
0xca: {  	(tm) =	ssettm $0x7FFFFFFF  }
0xcb: {  	_ =	shalt  }
tec
execute0_lowered:
.L_overlay_start_1:
0x0: {  	(tag) =	ssettag $0x1  }
0x1: {  	s2 =	srdreg.scid;
	s0 =	rddreg [dreg:$0x0];
	s1 =	simm.s32 $0x0  }
0x2: {  	s24 =	stileid.u32;
	s3 =	sand.u32 $0x1, s2;
	[smem:$0x7FF] =	sst s1  }
0x3: {  	s11 =	sadd.s32 $0x64400, s0;
	s4 =	smul.u32 $0xA000, s24;
	s2 =	ssub.s32 $0x2, s3  }
0x4: {  	s12 =	sadd.s32 $0x8C400, s0;
	s13 =	smul.u32 $0xA0000, s3;
	s5 =	sshrl.u32 s2, $0x1  }
0x5: {  	s14 =	sadd.s32 $0x2000, s4;
	s17 =	sadd.s32 $0x4000, s4;
	s18 =	sadd.s32 $0x6000, s4  }
0x6: {  	s21 =	sadd.s32 $0x8000, s4;
	s5 =	ssub.s32 s2, s5;
	s2 =	smul.u32 $0xFA00, s24  }
0x7: {  	s15 =	sadd.s32 s4, s13;
	s16 =	sadd.s32 s13, s14;
	s19 =	sadd.s32 s13, s17  }
0x8: {  	s25 =	sadd.s32 s13, s18;
	s13 =	sadd.s32 s13, s21;
	s15 =	sshrl.u32 s15, $0x3  }
0x9: {  	s16 =	sshrl.u32 s16, $0x3;
	s23 =	sshrl.u32 s19, $0x3;
	s19 =	smul.u32 $0xFA000, s3  }
0xa: {  	s26 =	sshrl.u32 s25, $0x3;
	s13 =	sshrl.u32 s13, $0x3;
	s5 =	smax.u32 s5, $0x1  }
0xb: {  	s6 =	sadd.s32 $0x1F40, s2;
	s7 =	sadd.s32 $0x3E80, s2;
	s15 =	sadd.s32 s11, s15  }
0xc: {  	s8 =	sadd.s32 $0x5DC0, s2;
	s22 =	sadd.s32 s11, s16;
	[dreg:$0x5] =	wrdreg s15  }
0xd: {  	s9 =	sadd.s32 $0x7D00, s2;
	s10 =	sadd.s32 $0x9C40, s2;
	[dreg:$0x6] =	wrdreg s22  }
0xe: {  	s15 =	sadd.s32 s11, s23;
	s16 =	sadd.s32 s2, s19;
	s20 =	sadd.s32 s19, s6  }
0xf: {  	s22 =	sadd.s32 s19, s7;
	[dreg:$0x7] =	wrdreg s15;
	s15 =	sadd.s32 s11, s26  }
0x10: {  	s11 =	sadd.s32 s11, s13;
	s25 =	sshrl.u32 s22, $0x3;
	[dreg:$0x8] =	wrdreg s15  }
0x11: {  	s23 =	sshrl.u32 s20, $0x3;
	[dreg:$0x9] =	wrdreg s11;
	s26 =	sadd.s32 s12, s25  }
0x12: {  	s11 =	sshrl.u32 s16, $0x3;
	s15 =	sadd.s32 s19, s9;
	[dreg:$0xc] =	wrdreg s26  }
0x13: {  	s16 =	sadd.s32 s19, s10;
	s20 =	sshrl.u32 s15, $0x3;
	s15 =	rddreg [dreg:$0x2]  }
0x14: {  	s11 =	sadd.s32 s12, s11;
	s22 =	sshrl.u32 s16, $0x3;
	s16 =	rddreg [dreg:$0x3]  }
0x15: {  	s13 =	sadd.s32 s19, s8;
	[dreg:$0xa] =	wrdreg s11;
	s11 =	sadd.s32 s12, s23  }
0x16: {  	s23 =	sadd.s32 s12, s22;
	s22 =	sadd.s32 $0xDAC0, s2;
	s4 =	sadd.s32 s4, s15  }
0x17: {  	s28 =	sadd.s32 s18, s15;
	s29 =	sadd.s32 s21, s15;
	[dreg:$0xb] =	wrdreg s11  }
0x18: {  	s30 =	sadd.s32 s2, s16;
	s31 =	sadd.s32 s6, s16;
	[dreg:$0xf] =	wrdreg s23  }
0x19: {  	s21 =	sadd.s32 s10, s16;
	s11 =	sshrl.u32 s13, $0x3;
	s13 =	rddreg [dreg:$0x1]  }
0x1a: {  	s26 =	sadd.s32 s19, s22;
	s23 =	smul.u32 $0x27100, s3;
	s11 =	sadd.s32 s12, s11  }
0x1b: {  	s3 =	smul.u32 $0x4E200, s3;
	[dreg:$0xd] =	wrdreg s11;
	s11 =	sadd.s32 s12, s20  }
0x1c: {  	[dreg:$0xe] =	wrdreg s11;
	s11 =	sadd.s32 $0xBB80, s2;
	s2 =	sadd.s32 s9, s16  }
0x1d: {  	s9 =	simm.s32 $0x3;
	s25 =	sadd.s32 s19, s11;
	s19 =	sshrl.u32 s26, $0x3  }
0x1e: {  	s26 =	sadd.s32 s17, s15;
	s10 =	sadd.s32 s11, s16;
	s20 =	sshrl.u32 s25, $0x3  }
0x1f: {  	s17 =	sadd.s32 s22, s16;
	s25 =	sadd.s32 s14, s15;
	s20 =	sadd.s32 s12, s20  }
0x20: {  	s14 =	sadd.s32 s7, s16;
	s12 =	sadd.s32 s12, s19;
	[dreg:$0x10] =	wrdreg s20  }
0x21: {  	s19 =	sadd.s32 $0x5A600, s0;
	[dreg:$0x11] =	wrdreg s12;
	s12 =	sadd.s32 s23, s0  }
0x22: {  	s20 =	sadd.s32 $0x50800, s0;
	s23 =	smul.u32 $0x9C4, s24;
	s24 =	smov.u32 s4  }
0x23: {  	s0 =	sadd.s32 s8, s16;
	_ =	strace $0x80000047;
	[dreg:$0x13] =	wrdreg s10  }
0x24: {  	s8 =	simm.s32 $0x180;
	[dreg:$0x14] =	wrdreg s17;
	s4 =	sadd.s32 $0x2600, s12  }
0x25: {  	[dreg:$0x15] =	wrdreg s5;
	s10 =	simm.s32 $0x2180;
	s12 =	simm.s32 $0x100  }
.Ltmp0:
0x26: {  	s17 =	simm.s32 $0x1;
	s5 =	simm.s32 $0x40C0;
	(pc) =	sbr.rel .LBB2_1-.Ltmp0, $4  }
0x27: {  	[dreg:$0x12] =	wrdreg s21;
	s11 =	sadd.s32 $0x9C4, s23;
	s18 =	sshrl.u32 s23, $0x4  }
0x28: {  	s6 =	sshrl.u32 s11, $0x4;
	s23 =	sshll.u32 s18, $0x7;
	s11 =	simm.s32 $0x80  }
0x29: {  	p0 =	sle.u32 s6, s18;
	s22 =	ssub.s32 s6, s18;
	[dreg:$0x17] =	wrdreg s23  }
0x2a: {  	v0 =	vimm.f32 $0.0e+00;
	v1 =	vimm.f32 $1.000000000e+00;
	s18 =	simm.s32 $0x2;
	s6 =	simm.s32 $0x0;
	[dreg:$0x16] =	wrdreg s22  }
.LBB2_8:
0x2b: {  	s24 =	smov.u32 s25  }
0x2c: {  	s25 =	smov.u32 s26;
	s26 =	smov.u32 s28;
	s28 =	smov.u32 s30  }
0x2d: {  	s30 =	smov.u32 s31;
	s31 =	smov.u32 s14;
	s14 =	smov.u32 s0  }
0x2e: {  	s0 =	smov.u32 s2;
	s2 =	smov.u32 s21;
	s21 =	rddreg [dreg:$0x12]  }
.LBB2_11:
0x2f: {  	s22 =	sshrl.u32 s7, $0x3;
	[sflag:s9] =	ssyncset.done @p1 $0x0  }
0x30: {  	s23 =	sadd.s32 s19, s22;
	[sflag:s9] =	ssyncadd.s32 @p1 $0xFFFFFF80  }
0x31: {  	[tilespmem:s1], [sflag:$0x1] =	stream.linear.gather [hbm4b:s23+s1], $0x80, $0x38;
	[tilespmem:$0x1DB40] =	vst v63  }
0x32: {  	s23 =	sadd.s32 s7, s3  }
0x33: {  	s22 =	sadd.s32 s20, s22;
	s7 =	sshrl.u32 s23, $0x3  }
0x34: {  	[tilespmem:s11], [sflag:$0x1] =	stream.linear.gather [hbm4b:s22+s1], $0x80, $0x38;
	[tilespmem:$0x1DB40] =	vst v63  }
0x35: {  	s7 =	sadd.s32 s13, s7  }
0x36: {  	[tilespmem:s12], [sflag:$0x1] =	stream.linear.gather [hbm4b:s7+s1], $0x80, $0x38;
	[tilespmem:$0x1DB40] =	vst v63  }
0x37: {  	_ =	swait.ge [sflag:s17], $0x80  }
0x38: {  	[sflag:s17] =	ssyncset.done $0x0  }
0x39: {  	[sflag:s17] =	ssyncadd.s32 $0xFFFFFF80  }
0x3a: {  	_ =	swait.ge [sflag:s17], $0x80  }
0x3b: {  	[sflag:s17] =	ssyncset.done $0x0  }
0x3c: {  	[sflag:s17] =	ssyncadd.s32 $0xFFFFFF80  }
0x3d: {  	_ =	swait.ge [sflag:s17], $0x80  }
0x3e: {  	[sflag:s17] =	ssyncset.done $0x0  }
0x3f: {  	[sflag:s17] =	ssyncadd.s32 $0xFFFFFF80  }
0x40: {  	[tilespmem:s8], [sflag:$0x2] =	stream.indirect.gather [hbm4b:s4+s11], $0x40, s1, s11, $0xb8;
	[tilespmem:$0x1DB40] =	vst v63  }
0x41: {  	_ =	swait.ge [sflag:s18], $0x2000  }
0x42: {  	[sflag:s18] =	ssyncset.done $0x0  }
0x43: {  	[sflag:s18] =	ssyncadd.s32 $0xFFFFE000  }
0x44: {  	[spmem:s15] =	stream.indirect.scatter.add.f32 [tilespmem:s8], [sflag:$0x3], $0x40, s11, s11, $0xb8;
	[tilespmem:$0x1DB40] =	vst v63  }
0x45: {  	_ =	swait.ge [sflag:s9], $0x2000  }
0x46: {  	[sflag:s9] =	ssyncset.done $0x0  }
0x47: {  	[sflag:s9] =	ssyncadd.s32 $0xFFFFE000  }
0x48: {  	[spmem:s16] =	stream.indirect.scatter.add.f32 [tilespmem:s5], [sflag:$0x3], $0x1, s12, s11, $0xb8;
	[tilespmem:$0x1DB40] =	vst v63  }
0x49: {  	_ =	swait.ge [sflag:s9], $0x80  }
0x4a: {  	[sflag:s9] =	ssyncset.done $0x0  }
0x4b: {  	[sflag:s9] =	ssyncadd.s32 $0xFFFFFF80  }
.LBB2_12:
0x4c: {  	[bflag:$0x0] =	sbarrier.arrive $0xFFFF  }
0x4d: {  	[tilespmem:s8], [sflag:$0x3] =	stream.linear.gather [spmem:s24], $0x2000, $0x38;
	[tilespmem:$0x1DB40] =	vst v63  }
0x4e: {  	_ =	swait.ge [sflag:s9], $0x2000  }
0x4f: {  	[sflag:s9] =	ssyncset.done $0x0  }
0x50: {  	s7 =	rddreg [dreg:$0x5];
	[sflag:s9] =	ssyncadd.s32 $0xFFFFE000  }
0x51: {  	[hbm4b:s7+s1] =	stream.linear.scatter [tilespmem:s8], [sflag:$0x3], $0x2000, $0x38;
	[tilespmem:$0x1DB40] =	vst v63  }
0x52: {  	_ =	swait.ge [sflag:s9], $0x2000  }
0x53: {  	[sflag:s9] =	ssyncset.done $0x0  }
0x54: {  	[sflag:s9] =	ssyncadd.s32 $0xFFFFE000  }
0x55: {  	[tilespmem:s8], [sflag:$0x3] =	stream.linear.gather [spmem:s25], $0x2000, $0x38;
	[tilespmem:$0x1DB40] =	vst v63  }
0x56: {  	_ =	swait.ge [sflag:s9], $0x2000  }
0x57: {  	[sflag:s9] =	ssyncset.done $0x0  }
0x58: {  	s23 =	rddreg [dreg:$0x6];
	[sflag:s9] =	ssyncadd.s32 $0xFFFFE000  }
0x59: {  	[hbm4b:s23+s1] =	stream.linear.scatter [tilespmem:s8], [sflag:$0x3], $0x2000, $0x38;
	[tilespmem:$0x1DB40] =	vst v63  }
0x5a: {  	_ =	swait.ge [sflag:s9], $0x2000  }
0x5b: {  	[sflag:s9] =	ssyncset.done $0x0  }
0x5c: {  	[sflag:s9] =	ssyncadd.s32 $0xFFFFE000  }
0x5d: {  	[tilespmem:s8], [sflag:$0x3] =	stream.linear.gather [spmem:s26], $0x2000, $0x38;
	[tilespmem:$0x1DB40] =	vst v63  }
0x5e: {  	_ =	swait.ge [sflag:s9], $0x2000  }
0x5f: {  	[sflag:s9] =	ssyncset.done $0x0  }
0x60: {  	s22 =	rddreg [dreg:$0x7];
	[sflag:s9] =	ssyncadd.s32 $0xFFFFE000  }
0x61: {  	[hbm4b:s22+s1] =	stream.linear.scatter [tilespmem:s8], [sflag:$0x3], $0x2000, $0x38;
	[tilespmem:$0x1DB40] =	vst v63  }
0x62: {  	_ =	swait.ge [sflag:s9], $0x2000  }
0x63: {  	[sflag:s9] =	ssyncset.done $0x0  }
0x64: {  	[sflag:s9] =	ssyncadd.s32 $0xFFFFE000  }
0x65: {  	[tilespmem:s8], [sflag:$0x3] =	stream.linear.gather [spmem:s28], $0x2000, $0x38;
	[tilespmem:$0x1DB40] =	vst v63  }
0x66: {  	_ =	swait.ge [sflag:s9], $0x2000  }
0x67: {  	[sflag:s9] =	ssyncset.done $0x0  }
0x68: {  	s23 =	rddreg [dreg:$0x8];
	[sflag:s9] =	ssyncadd.s32 $0xFFFFE000  }
0x69: {  	[hbm4b:s23+s1] =	stream.linear.scatter [tilespmem:s8], [sflag:$0x3], $0x2000, $0x38;
	[tilespmem:$0x1DB40] =	vst v63  }
0x6a: {  	_ =	swait.ge [sflag:s9], $0x2000  }
0x6b: {  	[sflag:s9] =	ssyncset.done $0x0  }
0x6c: {  	[sflag:s9] =	ssyncadd.s32 $0xFFFFE000  }
0x6d: {  	[tilespmem:s8], [sflag:$0x3] =	stream.linear.gather [spmem:s29], $0x2000, $0x38;
	[tilespmem:$0x1DB40] =	vst v63  }
0x6e: {  	_ =	swait.ge [sflag:s9], $0x2000  }
0x6f: {  	[sflag:s9] =	ssyncset.done $0x0  }
0x70: {  	s22 =	rddreg [dreg:$0x9];
	[sflag:s9] =	ssyncadd.s32 $0xFFFFE000  }
0x71: {  	[hbm4b:s22+s1] =	stream.linear.scatter [tilespmem:s8], [sflag:$0x3], $0x2000, $0x38;
	[tilespmem:$0x1DB40] =	vst v63  }
0x72: {  	_ =	swait.ge [sflag:s9], $0x2000  }
0x73: {  	[sflag:s9] =	ssyncset.done $0x0  }
0x74: {  	[sflag:s9] =	ssyncadd.s32 $0xFFFFE000  }
0x75: {  	[tilespmem:s10], [sflag:$0x3] =	stream.linear.gather [spmem:s30], $0x1F40, $0x38;
	[tilespmem:$0x1DB40] =	vst v63  }
0x76: {  	_ =	swait.ge [sflag:s9], $0x1F40  }
0x77: {  	[sflag:s9] =	ssyncset.done $0x0  }
0x78: {  	s23 =	rddreg [dreg:$0xa];
	[sflag:s9] =	ssyncadd.s32 $0xFFFFE0C0  }
0x79: {  	[hbm4b:s23+s1] =	stream.linear.scatter [tilespmem:s10], [sflag:$0x3], $0x1F40, $0x38;
	[tilespmem:$0x1DB40] =	vst v63  }
0x7a: {  	_ =	swait.ge [sflag:s9], $0x1F40  }
0x7b: {  	[sflag:s9] =	ssyncset.done $0x0  }
0x7c: {  	[sflag:s9] =	ssyncadd.s32 $0xFFFFE0C0  }
0x7d: {  	[tilespmem:s10], [sflag:$0x3] =	stream.linear.gather [spmem:s31], $0x1F40, $0x38;
	[tilespmem:$0x1DB40] =	vst v63  }
0x7e: {  	_ =	swait.ge [sflag:s9], $0x1F40  }
0x7f: {  	[sflag:s9] =	ssyncset.done $0x0  }
0x80: {  	s22 =	rddreg [dreg:$0xb];
	[sflag:s9] =	ssyncadd.s32 $0xFFFFE0C0  }
0x81: {  	[hbm4b:s22+s1] =	stream.linear.scatter [tilespmem:s10], [sflag:$0x3], $0x1F40, $0x38;
	[tilespmem:$0x1DB40] =	vst v63  }
0x82: {  	_ =	swait.ge [sflag:s9], $0x1F40  }
0x83: {  	[sflag:s9] =	ssyncset.done $0x0  }
0x84: {  	[sflag:s9] =	ssyncadd.s32 $0xFFFFE0C0  }
0x85: {  	[tilespmem:s10], [sflag:$0x3] =	stream.linear.gather [spmem:s14], $0x1F40, $0x38;
	[tilespmem:$0x1DB40] =	vst v63  }
0x86: {  	_ =	swait.ge [sflag:s9], $0x1F40  }
0x87: {  	[sflag:s9] =	ssyncset.done $0x0  }
0x88: {  	s23 =	rddreg [dreg:$0xc];
	[sflag:s9] =	ssyncadd.s32 $0xFFFFE0C0  }
0x89: {  	[hbm4b:s23+s1] =	stream.linear.scatter [tilespmem:s10], [sflag:$0x3], $0x1F40, $0x38;
	[tilespmem:$0x1DB40] =	vst v63  }
0x8a: {  	_ =	swait.ge [sflag:s9], $0x1F40  }
0x8b: {  	[sflag:s9] =	ssyncset.done $0x0  }
0x8c: {  	[sflag:s9] =	ssyncadd.s32 $0xFFFFE0C0  }
0x8d: {  	[tilespmem:s10], [sflag:$0x3] =	stream.linear.gather [spmem:s0], $0x1F40, $0x38;
	[tilespmem:$0x1DB40] =	vst v63  }
0x8e: {  	_ =	swait.ge [sflag:s9], $0x1F40  }
0x8f: {  	[sflag:s9] =	ssyncset.done $0x0  }
0x90: {  	s22 =	rddreg [dreg:$0xd];
	[sflag:s9] =	ssyncadd.s32 $0xFFFFE0C0  }
0x91: {  	[hbm4b:s22+s1] =	stream.linear.scatter [tilespmem:s10], [sflag:$0x3], $0x1F40, $0x38;
	[tilespmem:$0x1DB40] =	vst v63  }
0x92: {  	_ =	swait.ge [sflag:s9], $0x1F40  }
0x93: {  	[sflag:s9] =	ssyncset.done $0x0  }
0x94: {  	[sflag:s9] =	ssyncadd.s32 $0xFFFFE0C0  }
0x95: {  	[tilespmem:s10], [sflag:$0x3] =	stream.linear.gather [spmem:s2], $0x1F40, $0x38;
	[tilespmem:$0x1DB40] =	vst v63  }
0x96: {  	_ =	swait.ge [sflag:s9], $0x1F40  }
0x97: {  	[sflag:s9] =	ssyncset.done $0x0  }
0x98: {  	s23 =	rddreg [dreg:$0xe];
	[sflag:s9] =	ssyncadd.s32 $0xFFFFE0C0  }
0x99: {  	[hbm4b:s23+s1] =	stream.linear.scatter [tilespmem:s10], [sflag:$0x3], $0x1F40, $0x38;
	[tilespmem:$0x1DB40] =	vst v63  }
0x9a: {  	_ =	swait.ge [sflag:s9], $0x1F40  }
0x9b: {  	[sflag:s9] =	ssyncset.done $0x0  }
0x9c: {  	[sflag:s9] =	ssyncadd.s32 $0xFFFFE0C0  }
0x9d: {  	[tilespmem:s10], [sflag:$0x3] =	stream.linear.gather [spmem:s21], $0x1F40, $0x38;
	[tilespmem:$0x1DB40] =	vst v63  }
0x9e: {  	_ =	swait.ge [sflag:s9], $0x1F40  }
0x9f: {  	[sflag:s9] =	ssyncset.done $0x0  }
0xa0: {  	s22 =	rddreg [dreg:$0xf];
	[sflag:s9] =	ssyncadd.s32 $0xFFFFE0C0  }
0xa1: {  	[hbm4b:s22+s1] =	stream.linear.scatter [tilespmem:s10], [sflag:$0x3], $0x1F40, $0x38;
	[tilespmem:$0x1DB40] =	vst v63  }
0xa2: {  	_ =	swait.ge [sflag:s9], $0x1F40  }
0xa3: {  	[sflag:s9] =	ssyncset.done $0x0  }
0xa4: {  	s23 =	rddreg [dreg:$0x13];
	[sflag:s9] =	ssyncadd.s32 $0xFFFFE0C0  }
0xa5: {  	[tilespmem:s10], [sflag:$0x3] =	stream.linear.gather [spmem:s23], $0x1F40, $0x38;
	[tilespmem:$0x1DB40] =	vst v63  }
0xa6: {  	_ =	swait.ge [sflag:s9], $0x1F40  }
0xa7: {  	[sflag:s9] =	ssyncset.done $0x0  }
0xa8: {  	s22 =	rddreg [dreg:$0x10];
	[sflag:s9] =	ssyncadd.s32 $0xFFFFE0C0  }
0xa9: {  	[hbm4b:s22+s1] =	stream.linear.scatter [tilespmem:s10], [sflag:$0x3], $0x1F40, $0x38;
	[tilespmem:$0x1DB40] =	vst v63  }
0xaa: {  	_ =	swait.ge [sflag:s9], $0x1F40  }
0xab: {  	[sflag:s9] =	ssyncset.done $0x0  }
0xac: {  	s23 =	rddreg [dreg:$0x14];
	[sflag:s9] =	ssyncadd.s32 $0xFFFFE0C0  }
0xad: {  	[tilespmem:s10], [sflag:$0x3] =	stream.linear.gather [spmem:s23], $0x1F40, $0x38;
	[tilespmem:$0x1DB40] =	vst v63  }
0xae: {  	_ =	swait.ge [sflag:s9], $0x1F40  }
0xaf: {  	[sflag:s9] =	ssyncset.done $0x0  }
0xb0: {  	s22 =	rddreg [dreg:$0x11];
	[sflag:s9] =	ssyncadd.s32 $0xFFFFE0C0  }
0xb1: {  	[hbm4b:s22+s1] =	stream.linear.scatter [tilespmem:s10], [sflag:$0x3], $0x1F40, $0x38;
	[tilespmem:$0x1DB40] =	vst v63  }
0xb2: {  	_ =	swait.ge [sflag:s9], $0x1F40  }
0xb3: {  	s6 =	sadd.s32 $0x1, s6;
	s23 =	rddreg [dreg:$0x15]  }
0xb4: {  	p1 =	sne.s32 s6, s23  }
.Ltmp1:
0xb5: {  	_ = 	snop;
	(pc) =	sbr.rel @!p1 .LBB2_13-.Ltmp1, $3  }
0xb6: {  	_ =	sdelay $0x1  }
0xb7: {  	[sflag:s9] =	ssyncset.done $0x0  }
0xb8: {  	[sflag:s9] =	ssyncadd.s32 $0xFFFFE0C0  }
.LBB2_1:
0xb9: {  	s7 =	simm.s32 $0x0  }
.LBB2_2:
0xba: {  	p1 =	sne.s32 s7, $0x7CC0  }
.Ltmp2:
0xbb: {  	_ = 	snop;
	(pc) =	sbr.rel @p1 .LBB2_2-.Ltmp2, $3  }
0xbc: {  	_ =	sdelay $0x1  }
0xbd: {  	s22 =	sshra.s32 s7, $0x2  }
0xbe: {  	s7 =	sadd.s32 $0x40, s7;
	[tilespmem:s22+$0x2180] =	vst v0  }
0xbf: {  	s22 =	simm.s32 $0x100;
	s7 =	simm.s32 $0x0  }
.LBB2_4:
0xc0: {  	p1 =	sne.s32 s22, $0x7F00;
	[tilespmem:s7+$0x1B0] =	vst v0;
	s23 =	smov.u32 s22;
	s22 =	sadd.s32 $0x100, s22  }
.Ltmp3:
0xc1: {  	[tilespmem:s7+$0x1A0] =	vst v0;
	(pc) =	sbr.rel @p1 .LBB2_4-.Ltmp3, $3  }
0xc2: {  	[tilespmem:s7+$0x180] =	vst v0  }
0xc3: {  	[tilespmem:s7+$0x190] =	vst v0;
	_ =	sdelay $0x1  }
0xc4: {  	s7 =	sshra.s32 s23, $0x2  }
0xc5: {  	[tilespmem:s7+$0x1B0] =	vst v0  }
0xc6: {  	[tilespmem:s7+$0x1A0] =	vst v0  }
0xc7: {  	[tilespmem:s7+$0x180] =	vst v0  }
0xc8: {  	[tilespmem:s7+$0x190] =	vst v0  }
0xc9: {  	[tilespmem:$0x40C0] =	vst v1  }
0xca: {  	[tilespmem:$0x40D0] =	vst v1  }
0xcb: {  	[tilespmem:$0x40E0] =	vst v1  }
0xcc: {  	[tilespmem:$0x40F0] =	vst v1  }
0xcd: {  	[tilespmem:$0x4100] =	vst v1  }
0xce: {  	[tilespmem:$0x4110] =	vst v1  }
0xcf: {  	[tilespmem:$0x4120] =	vst v1  }
0xd0: {  	[tilespmem:$0x4130] =	vst v1  }
0xd1: {  	[spmem:s24] =	stream.linear.scatter [tilespmem:s8], [sflag:$0x3], $0x2000, $0x38;
	[tilespmem:$0x1DB40] =	vst v63  }
0xd2: {  	_ =	swait.ge [sflag:s9], $0x2000  }
0xd3: {  	[sflag:s9] =	ssyncset.done $0x0  }
0xd4: {  	[sflag:s9] =	ssyncadd.s32 $0xFFFFE000  }
0xd5: {  	[spmem:s25] =	stream.linear.scatter [tilespmem:s8], [sflag:$0x3], $0x2000, $0x38;
	[tilespmem:$0x1DB40] =	vst v63  }
0xd6: {  	_ =	swait.ge [sflag:s9], $0x2000  }
0xd7: {  	[sflag:s9] =	ssyncset.done $0x0  }
0xd8: {  	[sflag:s9] =	ssyncadd.s32 $0xFFFFE000  }
0xd9: {  	[spmem:s26] =	stream.linear.scatter [tilespmem:s8], [sflag:$0x3], $0x2000, $0x38;
	[tilespmem:$0x1DB40] =	vst v63  }
0xda: {  	_ =	swait.ge [sflag:s9], $0x2000  }
0xdb: {  	[sflag:s9] =	ssyncset.done $0x0  }
0xdc: {  	[sflag:s9] =	ssyncadd.s32 $0xFFFFE000  }
0xdd: {  	[spmem:s28] =	stream.linear.scatter [tilespmem:s8], [sflag:$0x3], $0x2000, $0x38;
	[tilespmem:$0x1DB40] =	vst v63  }
0xde: {  	_ =	swait.ge [sflag:s9], $0x2000  }
0xdf: {  	[sflag:s9] =	ssyncset.done $0x0  }
0xe0: {  	[sflag:s9] =	ssyncadd.s32 $0xFFFFE000  }
0xe1: {  	[spmem:s29] =	stream.linear.scatter [tilespmem:s8], [sflag:$0x3], $0x2000, $0x38;
	[tilespmem:$0x1DB40] =	vst v63  }
0xe2: {  	_ =	swait.ge [sflag:s9], $0x2000  }
0xe3: {  	[sflag:s9] =	ssyncset.done $0x0  }
0xe4: {  	[sflag:s9] =	ssyncadd.s32 $0xFFFFE000  }
0xe5: {  	[spmem:s30] =	stream.linear.scatter [tilespmem:s10], [sflag:$0x3], $0x1F40, $0x38;
	[tilespmem:$0x1DB40] =	vst v63  }
0xe6: {  	_ =	swait.ge [sflag:s9], $0x1F40  }
0xe7: {  	[sflag:s9] =	ssyncset.done $0x0  }
0xe8: {  	[sflag:s9] =	ssyncadd.s32 $0xFFFFE0C0  }
0xe9: {  	[spmem:s31] =	stream.linear.scatter [tilespmem:s10], [sflag:$0x3], $0x1F40, $0x38;
	[tilespmem:$0x1DB40] =	vst v63  }
0xea: {  	_ =	swait.ge [sflag:s9], $0x1F40  }
0xeb: {  	[sflag:s9] =	ssyncset.done $0x0  }
0xec: {  	[sflag:s9] =	ssyncadd.s32 $0xFFFFE0C0  }
0xed: {  	[spmem:s14] =	stream.linear.scatter [tilespmem:s10], [sflag:$0x3], $0x1F40, $0x38;
	[tilespmem:$0x1DB40] =	vst v63  }
0xee: {  	_ =	swait.ge [sflag:s9], $0x1F40  }
0xef: {  	[sflag:s9] =	ssyncset.done $0x0  }
0xf0: {  	[sflag:s9] =	ssyncadd.s32 $0xFFFFE0C0  }
0xf1: {  	[spmem:s0] =	stream.linear.scatter [tilespmem:s10], [sflag:$0x3], $0x1F40, $0x38;
	[tilespmem:$0x1DB40] =	vst v63  }
0xf2: {  	_ =	swait.ge [sflag:s9], $0x1F40  }
0xf3: {  	[sflag:s9] =	ssyncset.done $0x0  }
0xf4: {  	[sflag:s9] =	ssyncadd.s32 $0xFFFFE0C0  }
0xf5: {  	[spmem:s2] =	stream.linear.scatter [tilespmem:s10], [sflag:$0x3], $0x1F40, $0x38;
	[tilespmem:$0x1DB40] =	vst v63  }
0xf6: {  	_ =	swait.ge [sflag:s9], $0x1F40  }
0xf7: {  	[sflag:s9] =	ssyncset.done $0x0  }
0xf8: {  	[sflag:s9] =	ssyncadd.s32 $0xFFFFE0C0  }
0xf9: {  	[spmem:s21] =	stream.linear.scatter [tilespmem:s10], [sflag:$0x3], $0x1F40, $0x38;
	[tilespmem:$0x1DB40] =	vst v63  }
0xfa: {  	_ =	swait.ge [sflag:s9], $0x1F40  }
0xfb: {  	[sflag:s9] =	ssyncset.done $0x0  }
0xfc: {  	s22 =	rddreg [dreg:$0x13];
	[sflag:s9] =	ssyncadd.s32 $0xFFFFE0C0  }
0xfd: {  	[spmem:s22] =	stream.linear.scatter [tilespmem:s10], [sflag:$0x3], $0x1F40, $0x38;
	[tilespmem:$0x1DB40] =	vst v63  }
0xfe: {  	_ =	swait.ge [sflag:s9], $0x1F40  }
0xff: {  	[sflag:s9] =	ssyncset.done $0x0  }
0x100: {  	s23 =	rddreg [dreg:$0x14];
	[sflag:s9] =	ssyncadd.s32 $0xFFFFE0C0  }
0x101: {  	[spmem:s23] =	stream.linear.scatter [tilespmem:s10], [sflag:$0x3], $0x1F40, $0x38;
	[tilespmem:$0x1DB40] =	vst v63  }
.Ltmp4:
0x102: {  	_ =	swait.ge [sflag:s9], $0x1F40;
	(pc) =	sbr.rel @p0 .LBB2_12-.Ltmp4, $3  }
0x103: {  	[sflag:s9] =	ssyncset.done $0x0  }
0x104: {  	[sflag:s9] =	ssyncadd.s32 $0xFFFFE0C0  }
0x105: {  	[bflag:$0x0] =	sbarrier.arrive $0xFFFF;
	_ =	sdelay $0x1  }
0x106: {  	s7 =	rddreg [dreg:$0x16]  }
0x107: {  	p2 =	sne.s32 s7, $0x1  }
.Ltmp5:
0x108: {  	_ = 	snop;
	(pc) =	sbr.rel @!p2 .LBB2_11-.Ltmp5, $2  }
0x109: {  	_ =	sdelay $0x2  }
0x10a: {  	p1 =	por $0x0, $0x0;
	s22 =	sadd.s32 $0xFFFFFFFF, s7;
	s7 =	rddreg [dreg:$0x17]  }
0x10b: {  	s21 =	smov.u32 s2  }
0x10c: {  	s2 =	smov.u32 s0;
	s0 =	smov.u32 s14;
	s14 =	smov.u32 s31  }
0x10d: {  	s31 =	smov.u32 s30;
	s30 =	smov.u32 s28;
	s28 =	smov.u32 s26  }
0x10e: {  	s26 =	smov.u32 s25;
	s25 =	smov.u32 s24;
	s24 =	rddreg [dreg:$0x17]  }
0x10f: {  	s7 =	sshrl.u32 s24, $0x3  }
0x110: {  	s23 =	sadd.s32 s19, s7  }
0x111: {  	[tilespmem:s1], [sflag:$0x1] =	stream.linear.gather [hbm4b:s23+s1], $0x80, $0x38;
	[tilespmem:$0x1DB40] =	vst v63  }
0x112: {  	s23 =	sadd.s32 s24, s3  }
0x113: {  	s7 =	sadd.s32 s20, s7;
	s23 =	sshrl.u32 s23, $0x3  }
0x114: {  	[tilespmem:s11], [sflag:$0x1] =	stream.linear.gather [hbm4b:s7+s1], $0x80, $0x38;
	[tilespmem:$0x1DB40] =	vst v63  }
0x115: {  	s7 =	sadd.s32 s13, s23  }
0x116: {  	[tilespmem:s12], [sflag:$0x1] =	stream.linear.gather [hbm4b:s7+s1], $0x80, $0x38;
	[tilespmem:$0x1DB40] =	vst v63  }
0x117: {  	_ =	swait.ge [sflag:s17], $0x80  }
0x118: {  	[sflag:s17] =	ssyncset.done $0x0  }
0x119: {  	[sflag:s17] =	ssyncadd.s32 $0xFFFFFF80  }
0x11a: {  	_ =	swait.ge [sflag:s17], $0x80  }
0x11b: {  	[sflag:s17] =	ssyncset.done $0x0  }
0x11c: {  	[sflag:s17] =	ssyncadd.s32 $0xFFFFFF80  }
0x11d: {  	_ =	swait.ge [sflag:s17], $0x80  }
0x11e: {  	[sflag:s17] =	ssyncset.done $0x0  }
0x11f: {  	[sflag:s17] =	ssyncadd.s32 $0xFFFFFF80  }
0x120: {  	[tilespmem:s8], [sflag:$0x2] =	stream.indirect.gather [hbm4b:s4+s11], $0x40, s1, s11, $0xb8;
	[tilespmem:$0x1DB40] =	vst v63  }
0x121: {  	_ =	swait.ge [sflag:s18], $0x2000  }
0x122: {  	[sflag:s18] =	ssyncset.done $0x0  }
0x123: {  	p2 =	sne.s32 s22, $0x1;
	[sflag:s18] =	ssyncadd.s32 $0xFFFFE000  }
0x124: {  	[spmem:s15] =	stream.indirect.scatter.add.f32 [tilespmem:s8], [sflag:$0x3], $0x40, s11, s11, $0xb8;
	[tilespmem:$0x1DB40] =	vst v63  }
.Ltmp6:
0x125: {  	_ =	swait.ge [sflag:s9], $0x2000;
	(pc) =	sbr.rel @!p2 .LBB2_8-.Ltmp6, $4  }
0x126: {  	[sflag:s9] =	ssyncset.done $0x0  }
0x127: {  	s22 =	sadd.s32 $0xFFFFFFFF, s22;
	[sflag:s9] =	ssyncadd.s32 $0xFFFFE000  }
0x128: {  	[spmem:s16] =	stream.indirect.scatter.add.f32 [tilespmem:s5], [sflag:$0x3], $0x1, s12, s11, $0xb8;
	[tilespmem:$0x1DB40] =	vst v63  }
0x129: {  	p1 =	por $0x1, $0x1;
	s7 =	sadd.s32 $0x80, s24;
	_ =	swait.ge [sflag:s9], $0x80  }
.LBB2_9:
0x12a: {  	p2 =	sne.s32 s22, $0x1;
	s23 =	sshrl.u32 s7, $0x3;
	[sflag:s9] =	ssyncset.done $0x0  }
0x12b: {  	s22 =	sadd.s32 $0xFFFFFFFF, s22;
	s24 =	sadd.s32 s19, s23;
	[sflag:s9] =	ssyncadd.s32 $0xFFFFFF80  }
0x12c: {  	[tilespmem:s1], [sflag:$0x1] =	stream.linear.gather [hbm4b:s24+s1], $0x80, $0x38;
	[tilespmem:$0x1DB40] =	vst v63  }
0x12d: {  	s23 =	sadd.s32 s20, s23;
	s24 =	sadd.s32 s7, s3  }
0x12e: {  	[tilespmem:s11], [sflag:$0x1] =	stream.linear.gather [hbm4b:s23+s1], $0x80, $0x38;
	[tilespmem:$0x1DB40] =	vst v63  }
0x12f: {  	s23 =	sshrl.u32 s24, $0x3  }
0x130: {  	s23 =	sadd.s32 s13, s23  }
0x131: {  	[tilespmem:s12], [sflag:$0x1] =	stream.linear.gather [hbm4b:s23+s1], $0x80, $0x38;
	[tilespmem:$0x1DB40] =	vst v63  }
0x132: {  	_ =	swait.ge [sflag:s17], $0x80  }
0x133: {  	[sflag:s17] =	ssyncset.done $0x0  }
0x134: {  	[sflag:s17] =	ssyncadd.s32 $0xFFFFFF80  }
0x135: {  	_ =	swait.ge [sflag:s17], $0x80  }
0x136: {  	[sflag:s17] =	ssyncset.done $0x0  }
0x137: {  	[sflag:s17] =	ssyncadd.s32 $0xFFFFFF80  }
0x138: {  	_ =	swait.ge [sflag:s17], $0x80  }
0x139: {  	[sflag:s17] =	ssyncset.done $0x0  }
0x13a: {  	[sflag:s17] =	ssyncadd.s32 $0xFFFFFF80  }
0x13b: {  	[tilespmem:s8], [sflag:$0x2] =	stream.indirect.gather [hbm4b:s4+s11], $0x40, s1, s11, $0xb8;
	[tilespmem:$0x1DB40] =	vst v63  }
0x13c: {  	_ =	swait.ge [sflag:s18], $0x2000  }
0x13d: {  	[sflag:s18] =	ssyncset.done $0x0  }
0x13e: {  	[sflag:s18] =	ssyncadd.s32 $0xFFFFE000  }
0x13f: {  	[spmem:s15] =	stream.indirect.scatter.add.f32 [tilespmem:s8], [sflag:$0x3], $0x40, s11, s11, $0xb8;
	[tilespmem:$0x1DB40] =	vst v63  }
.Ltmp7:
0x140: {  	_ =	swait.ge [sflag:s9], $0x2000;
	(pc) =	sbr.rel @p2 .LBB2_9-.Ltmp7, $4  }
0x141: {  	[sflag:s9] =	ssyncset.done $0x0  }
0x142: {  	[sflag:s9] =	ssyncadd.s32 $0xFFFFE000  }
0x143: {  	[spmem:s16] =	stream.indirect.scatter.add.f32 [tilespmem:s5], [sflag:$0x3], $0x1, s12, s11, $0xb8;
	[tilespmem:$0x1DB40] =	vst v63  }
0x144: {  	s7 =	sadd.s32 $0x80, s7;
	_ =	swait.ge [sflag:s9], $0x80  }
.Ltmp8:
0x145: {  	(pc) =	sbr.rel .LBB2_11-.Ltmp8, $4  }
0x146: {  	s24 =	smov.u32 s25  }
0x147: {  	s25 =	smov.u32 s26;
	s26 =	smov.u32 s28;
	s28 =	smov.u32 s30  }
0x148: {  	s30 =	smov.u32 s31;
	s31 =	smov.u32 s14;
	s14 =	smov.u32 s0  }
0x149: {  	s0 =	smov.u32 s2;
	s2 =	smov.u32 s21;
	s21 =	rddreg [dreg:$0x12]  }
.LBB2_13:
0x14a: {  	_ =	sfence.sel $0x180000  }
0x14b: {  	[bflag:$0x0] =	sbarrier.arrive $0xFFFF  }
0x14c: {  	_ =	strace $0x90000047  }
0x14d: {  	s0 =	stileid.u32;
	[bflag:$0x2] =	sbarrier.arrive $0xFFFF  }
0x14e: {  	p0 =	sne.s32 s0, $0x0;
	s0 =	rddreg [dreg:$0x4]  }
0x14f: {  	s0 =	sadd.s32 @!p0 $0x100000, s0  }
0x150: {  	[sflag:s0] =	ssyncadd.tile.s32 @!p0 $0x1;
	_ =	shalt  }
.Lfunc_end2:
_tile_overlayer_lowered:
.L_overlay_start_2:
0x151: {  	(tag) =	ssettag $0x2  }
0x152: {  	s0 =	rddreg [dreg:$0x0];
	s2 =	stileid.u32  }
0x153: {  	s1 =	rddreg [dreg:$0x1];
	p0 =	sne.s32 s2, $0x0  }
0x154: {  	s3 =	rddreg [dreg:$0x2];
	[bflag:$0x3] =	sbarrier.arrive $0xFFFF;
	s2 =	simm.s32 @!p0 $0x1C03  }
0x155: {  	[timem:s3], [sflag:s2] =	dma.local @!p0 [hbm:s0], s1  }
0x156: {  	s0 =	simm.s32 @!p0 $0x3  }
0x157: {  	_ =	swait.ge @!p0 [sflag:s0], s1  }
0x158: {  	s1 =	ssub.s32 @!p0 $0x0, s1;
	[sflag:s0] =	ssyncset.done @!p0 $0x0  }
0x159: {  	[sflag:s0] =	ssyncadd.s32 @!p0 s1  }
0x15a: {  	[bflag:$0x3] =	sbarrier.arrive $0xFFFF  }
0x15b: {  	_ =	shalt  }

</sc_bundles>
